<compile_context>
chip_gen: v7x
topology: tpu7x:2x2x1
jax: 0.10.2.dev20260603
libtpu: 0.0.44.dev20260713+nightly
codegen_flags: <defaults>
</compile_context>

<pallas_src>
import functools

import jax
import jax.numpy as jnp
from jax import lax
from jax.experimental import pallas as pl
from jax.experimental.pallas import tpu as pltpu
from jax.experimental.pallas import tpu_sc as plsc

_N = 10000
_D = 128
_E = 320000
_NSUB = 16
_NCORE = 2
_CHUNK = 128
_ROWS = 2560
_EPAD = _ROWS * _CHUNK
_RPS = 624
_RTAIL = _N - _RPS * _NSUB
_STAGE = 40
_CPS = _ROWS // (_NCORE * _NSUB)
_NDUMP = 128

_sc_mesh = plsc.VectorSubcoreMesh(core_axis_name="c", subcore_axis_name="s")


@functools.partial(
    pl.kernel,
    out_type=jax.ShapeDtypeStruct((_NCORE, _N, _D), jnp.float32),
    mesh=_sc_mesh,
    scratch_types=[
        pltpu.VMEM((_STAGE, _CHUNK), jnp.int32),
        pltpu.VMEM((_STAGE, _CHUNK), jnp.int32),
        pltpu.VMEM((_CHUNK, _D), jnp.float32),
        pltpu.VMEM((_CHUNK, _D), jnp.float32),
        pltpu.VMEM_SHARED((_N + _NDUMP, _D), jnp.float32),
        pltpu.SemaphoreType.DMA,
        pltpu.SemaphoreType.DMA,
    ],
)
def _agg(x_hbm, src_hbm, dst_hbm, p_hbm, src_idx, dst_idx, rows0, rows1,
         acc, sem0, sem1):
    cid = lax.axis_index("c")
    sid = lax.axis_index("s")
    rbase = sid * _RPS
    with jax.named_scope("agg_init"):
        pltpu.sync_copy(x_hbm.at[pl.ds(rbase, _RPS)],
                        acc.at[pl.ds(rbase, _RPS)])

        @pl.when(sid == _NSUB - 1)
        def _():
            pltpu.sync_copy(x_hbm.at[pl.ds(_RPS * _NSUB, _RTAIL)],
                            acc.at[pl.ds(_RPS * _NSUB, _RTAIL)])

        plsc.subcore_barrier()

    def edge_pipeline(row_base, nblk):
        @pl.loop(0, nblk)
        def _(blk):
            base = row_base + blk * _STAGE
            pltpu.sync_copy(src_hbm.at[pl.ds(base, _STAGE)], src_idx)
            pltpu.sync_copy(dst_hbm.at[pl.ds(base, _STAGE)], dst_idx)
            pltpu.async_copy(x_hbm.at[src_idx.at[0]], rows0, sem0)
            pltpu.async_copy(x_hbm.at[src_idx.at[1]], rows1, sem1)

            @pl.loop(0, _STAGE - 2, step=2)
            def _(j):
                pltpu.make_async_copy(
                    x_hbm.at[src_idx.at[j]], rows0, sem0).wait()
                pltpu.sync_copy(rows0, acc.at[dst_idx.at[j]], add=True)
                pltpu.async_copy(x_hbm.at[src_idx.at[j + 2]], rows0, sem0)
                pltpu.make_async_copy(
                    x_hbm.at[src_idx.at[j + 1]], rows1, sem1).wait()
                pltpu.sync_copy(rows1, acc.at[dst_idx.at[j + 1]], add=True)
                pltpu.async_copy(x_hbm.at[src_idx.at[j + 3]], rows1, sem1)

            pltpu.make_async_copy(
                x_hbm.at[src_idx.at[_STAGE - 2]], rows0, sem0).wait()
            pltpu.sync_copy(rows0, acc.at[dst_idx.at[_STAGE - 2]], add=True)
            pltpu.make_async_copy(
                x_hbm.at[src_idx.at[_STAGE - 1]], rows1, sem1).wait()
            pltpu.sync_copy(rows1, acc.at[dst_idx.at[_STAGE - 1]], add=True)

    with jax.named_scope("agg_edges"):
        edge_pipeline((cid * _NSUB + sid) * _CPS, _CPS // _STAGE)

    plsc.subcore_barrier()
    with jax.named_scope("agg_out"):
        pltpu.sync_copy(acc.at[pl.ds(rbase, _RPS)],
                        p_hbm.at[cid, pl.ds(rbase, _RPS)])

        @pl.when(sid == _NSUB - 1)
        def _():
            pltpu.sync_copy(acc.at[pl.ds(_RPS * _NSUB, _RTAIL)],
                            p_hbm.at[cid, pl.ds(_RPS * _NSUB, _RTAIL)])


def _mlp_block(p_ref, x_ref, w1_ref, b1_ref, w2_ref, b2_ref, o_ref, *,
               final_relu):
    pb = p_ref[...]
    z = pb[0] + pb[1] - x_ref[...]
    t = jnp.dot(z, w1_ref[...], preferred_element_type=jnp.float32)
    t = jnp.maximum(t + b1_ref[...], 0.0)
    o = jnp.dot(t, w2_ref[...], preferred_element_type=jnp.float32)
    o = o + b2_ref[...]
    if final_relu:
        o = jnp.maximum(o, 0.0)
    o_ref[...] = o


_BLK = 1000


def _mlp(p, x, w1, b1, w2, b2, final_relu):
    return pl.pallas_call(
        functools.partial(_mlp_block, final_relu=final_relu),
        grid=(_N // _BLK,),
        in_specs=[
            pl.BlockSpec((_NCORE, _BLK, _D), lambda i: (0, i, 0)),
            pl.BlockSpec((_BLK, _D), lambda i: (i, 0)),
            pl.BlockSpec((_D, _D), lambda i: (0, 0)),
            pl.BlockSpec((1, _D), lambda i: (0, 0)),
            pl.BlockSpec((_D, _D), lambda i: (0, 0)),
            pl.BlockSpec((1, _D), lambda i: (0, 0)),
        ],
        out_specs=pl.BlockSpec((_BLK, _D), lambda i: (i, 0)),
        out_shape=jax.ShapeDtypeStruct((_N, _D), jnp.float32),
    )(p, x, w1, b1, w2, b2)


def kernel(x, edge_index, W11, b11, W12, b12, W21, b21, W22, b22):
    src = edge_index[0]
    dst = edge_index[1]
    pad = _EPAD - _E
    src_pad = jnp.arange(pad, dtype=jnp.int32) % _N
    src2d = jnp.concatenate([src, src_pad]).reshape(_ROWS, _CHUNK)
    dst_pad = _N + (jnp.arange(pad, dtype=jnp.int32) % _NDUMP)
    dst2d = jnp.concatenate([dst, dst_pad]).reshape(_ROWS, _CHUNK)
    b11r = b11.reshape(1, _D)
    b12r = b12.reshape(1, _D)
    b21r = b21.reshape(1, _D)
    b22r = b22.reshape(1, _D)
    p1 = _agg(x, src2d, dst2d)
    h = _mlp(p1, x, W11, b11r, W12, b12r, True)
    p2 = _agg(h, src2d, dst2d)
    out = _mlp(p2, h, W21, b21r, W22, b22r, False)
    return out

# --- scband reference (transcript-rebuilt; emitter-appended) ---
"""Pipeline reference for scband-gin-13400297964012 (READ-ONLY COPY).

The authoritative reference and input builder live on the scoring server;
editing this copy changes nothing except your own understanding.
"""

import jax, jax.numpy as jnp
import numpy as np

N = 10000
E = 320000
D = 128


def setup_inputs(seed: int = 0) -> dict:
    key = jax.random.key(seed)
    ks = jax.random.split(key, 12)
    x = jax.random.normal(ks[0], (N, D), dtype=jnp.float32)
    edge_index = jax.random.randint(ks[1], (2, E), 0, N, dtype=jnp.int32)
    s = 0.05
    W11 = jax.random.normal(ks[2], (D, D), dtype=jnp.float32) * s
    b11 = jnp.zeros((D,), dtype=jnp.float32)
    W12 = jax.random.normal(ks[3], (D, D), dtype=jnp.float32) * s
    b12 = jnp.zeros((D,), dtype=jnp.float32)
    W21 = jax.random.normal(ks[4], (D, D), dtype=jnp.float32) * s
    b21 = jnp.zeros((D,), dtype=jnp.float32)
    W22 = jax.random.normal(ks[5], (D, D), dtype=jnp.float32) * s
    b22 = jnp.zeros((D,), dtype=jnp.float32)
    return {"x": x, "edge_index": edge_index,
            "W11": W11, "b11": b11, "W12": W12, "b12": b12,
            "W21": W21, "b21": b21, "W22": W22, "b22": b22}


def _gin_conv(h, edge_index, Wa, ba, Wb, bb, eps=0.0):
    # GINConv: out = MLP((1+eps)*x + sum_{j in N(i)} x_j)
    src = edge_index[0]
    dst = edge_index[1]
    msgs = jnp.take(h, src, axis=0)              # gather  [E, D]
    agg = jax.ops.segment_sum(msgs, dst, num_segments=N)  # scatter-add [N, D]
    z = (1.0 + eps) * h + agg
    z = jnp.maximum(jnp.dot(z, Wa) + ba, 0.0)
    z = jnp.dot(z, Wb) + bb
    return z


def reference(x, edge_index, W11, b11, W12, b12, W21, b21, W22, b22):
    h = _gin_conv(x, edge_index, W11, b11, W12, b12)
    h = jnp.maximum(h, 0.0)
    # dropout is identity in eval mode (p applied only when training)
    out = _gin_conv(h, edge_index, W21, b21, W22, b22)
    return out

if __name__ == "__main__":
    import jax
    _d = setup_inputs()
    print(jax.jit(kernel)(*tuple(_d.values())))

</pallas_src>

<mosaic_0001>
#map = affine_map<(d0, d1) -> (0, 0)>
#map1 = affine_map<(d0, d1) -> (0, 0, 0)>
module attributes {stable_mosaic.version = 14 : i64} {
  func.func @_agg(%arg0: i32, %arg1: i32, %arg2: memref<10000x128xf32, #tpu.memory_space<hbm>>, %arg3: memref<2560x128xi32, #tpu.memory_space<hbm>>, %arg4: memref<2560x128xi32, #tpu.memory_space<hbm>>, %arg5: memref<2x10000x128xf32, #tpu.memory_space<hbm>>, %arg6: memref<40x128xi32, #tpu.memory_space<vmem>>, %arg7: memref<40x128xi32, #tpu.memory_space<vmem>>, %arg8: memref<128x128xf32, #tpu.memory_space<vmem>>, %arg9: memref<128x128xf32, #tpu.memory_space<vmem>>, %arg10: memref<10128x128xf32, #tpu.memory_space<vmem_shared>>, %arg11: memref<!tpu.dma_semaphore, #tpu.memory_space<semaphore_mem>>, %arg12: memref<!tpu.dma_semaphore, #tpu.memory_space<semaphore_mem>>) attributes {dimension_semantics = [#tpu.dimension_semantics<core_parallel>, #tpu.dimension_semantics<subcore_parallel>], iteration_bounds = array<i64: 2, 16>, scalar_prefetch = 0 : i64, scratch_operands = 7 : i64, tpu.core_type = #tpu.core_type<sc_vector_subcore>, window_params = [{transform_indices = #map}, {transform_indices = #map}, {transform_indices = #map}, {transform_indices = #map1}]} {
    %mul3A = arith.constant 624 : i32
    %mul3A_0 = arith.muli %arg1, %mul3A : i32
    "tpu.trace_start"() <{level = 10 : i32, message = "agg_init"}> : () -> ()
    "tpu.region"() ({
      %run_scoped3A = tpu.sem_alloc : memref<!tpu.dma_semaphore, #tpu.memory_space<semaphore_mem>>
      %dma_start3A = arith.constant 0 : i32
      %dma_start3A_17 = tpu.memref_slice %arg10[%mul3A_0, %dma_start3A] : memref<10128x128xf32, #tpu.memory_space<vmem_shared>> -> memref<624x128xf32, #tpu.memory_space<vmem_shared>>
      %dma_start3A_18 = arith.constant 0 : i32
      %dma_start3A_19 = tpu.memref_slice %arg2[%mul3A_0, %dma_start3A_18] : memref<10000x128xf32, #tpu.memory_space<hbm>> -> memref<624x128xf32, #tpu.memory_space<hbm>>
      tpu.enqueue_dma source(%dma_start3A_19 : memref<624x128xf32, #tpu.memory_space<hbm>>) target(%dma_start3A_17 : memref<624x128xf32, #tpu.memory_space<vmem_shared>>) target_semaphore(%run_scoped3A : memref<!tpu.dma_semaphore, #tpu.memory_space<semaphore_mem>>)
      %dma_wait3A = arith.constant 0 : i32
      %dma_wait3A_20 = tpu.memref_slice %arg10[%mul3A_0, %dma_wait3A] : memref<10128x128xf32, #tpu.memory_space<vmem_shared>> -> memref<624x128xf32, #tpu.memory_space<vmem_shared>>
      %dma_wait3A_21 = arith.constant 0 : i32
      %dma_wait3A_22 = tpu.memref_slice %arg2[%mul3A_0, %dma_wait3A_21] : memref<10000x128xf32, #tpu.memory_space<hbm>> -> memref<624x128xf32, #tpu.memory_space<hbm>>
      tpu.wait_dma2 semaphore(%run_scoped3A : memref<!tpu.dma_semaphore, #tpu.memory_space<semaphore_mem>>) src(%dma_wait3A_22 : memref<624x128xf32, #tpu.memory_space<hbm>>) dst(%dma_wait3A_20 : memref<624x128xf32, #tpu.memory_space<vmem_shared>>)
      tpu.yield
    }) : () -> ()
    %eq3A = arith.constant 15 : i32
    %eq3A_1 = arith.cmpi eq, %arg1, %eq3A : i32
    %convert_element_type3A = arith.extui %eq3A_1 : i1 to i32
    %cond3A = arith.constant 0 : i32
    %cond3A_2 = arith.cmpi ne, %convert_element_type3A, %cond3A : i32
    scf.if %cond3A_2 {
      "tpu.region"() ({
        %run_scoped3A = tpu.sem_alloc : memref<!tpu.dma_semaphore, #tpu.memory_space<semaphore_mem>>
        %dma_start3A = arith.constant 9984 : i32
        %dma_start3A_17 = arith.constant 0 : i32
        %dma_start3A_18 = tpu.memref_slice %arg10[%dma_start3A, %dma_start3A_17] : memref<10128x128xf32, #tpu.memory_space<vmem_shared>> -> memref<16x128xf32, #tpu.memory_space<vmem_shared>>
        %dma_start3A_19 = arith.constant 9984 : i32
        %dma_start3A_20 = arith.constant 0 : i32
        %dma_start3A_21 = tpu.memref_slice %arg2[%dma_start3A_19, %dma_start3A_20] : memref<10000x128xf32, #tpu.memory_space<hbm>> -> memref<16x128xf32, #tpu.memory_space<hbm>>
        tpu.enqueue_dma source(%dma_start3A_21 : memref<16x128xf32, #tpu.memory_space<hbm>>) target(%dma_start3A_18 : memref<16x128xf32, #tpu.memory_space<vmem_shared>>) target_semaphore(%run_scoped3A : memref<!tpu.dma_semaphore, #tpu.memory_space<semaphore_mem>>)
        %dma_wait3A = arith.constant 9984 : i32
        %dma_wait3A_22 = arith.constant 0 : i32
        %dma_wait3A_23 = tpu.memref_slice %arg10[%dma_wait3A, %dma_wait3A_22] : memref<10128x128xf32, #tpu.memory_space<vmem_shared>> -> memref<16x128xf32, #tpu.memory_space<vmem_shared>>
        %dma_wait3A_24 = arith.constant 9984 : i32
        %dma_wait3A_25 = arith.constant 0 : i32
        %dma_wait3A_26 = tpu.memref_slice %arg2[%dma_wait3A_24, %dma_wait3A_25] : memref<10000x128xf32, #tpu.memory_space<hbm>> -> memref<16x128xf32, #tpu.memory_space<hbm>>
        tpu.wait_dma2 semaphore(%run_scoped3A : memref<!tpu.dma_semaphore, #tpu.memory_space<semaphore_mem>>) src(%dma_wait3A_26 : memref<16x128xf32, #tpu.memory_space<hbm>>) dst(%dma_wait3A_23 : memref<16x128xf32, #tpu.memory_space<vmem_shared>>)
        tpu.yield
      }) : () -> ()
    } else {
    }
    %barrier3A = arith.constant 0 : index
    tpu.barrier barrier_id(%barrier3A)
    "tpu.trace_stop"() : () -> ()
    "tpu.trace_start"() <{level = 10 : i32, message = "agg_edges"}> : () -> ()
    %mul3A_3 = arith.constant 16 : i32
    %mul3A_4 = arith.muli %arg0, %mul3A_3 : i32
    %add3A = arith.addi %mul3A_4, %arg1 : i32
    %mul3A_5 = arith.constant 80 : i32
    %mul3A_6 = arith.muli %add3A, %mul3A_5 : i32
    %scan3A = arith.constant 0 : i32
    %scan3A_7 = arith.constant 2 : i32
    %scan3A_8 = arith.addi %scan3A, %scan3A_7 : i32
    %scan3A_9 = arith.constant 1 : i32
    scf.for %scan3A_17 = %scan3A to %scan3A_8 step %scan3A_9  : i32 {
      %mul3A_18 = arith.constant 1 : i32
      %mul3A_19 = arith.muli %scan3A_17, %mul3A_18 : i32
      %add3A_20 = arith.constant 0 : i32
      %add3A_21 = arith.addi %add3A_20, %mul3A_19 : i32
      %mul3A_22 = arith.constant 40 : i32
      %mul3A_23 = arith.muli %add3A_21, %mul3A_22 : i32
      %add3A_24 = arith.addi %mul3A_6, %mul3A_23 : i32
      "tpu.region"() ({
        %run_scoped3A_57 = tpu.sem_alloc : memref<!tpu.dma_semaphore, #tpu.memory_space<semaphore_mem>>
        %dma_start3A_58 = arith.constant 0 : i32
        %dma_start3A_59 = tpu.memref_slice %arg3[%add3A_24, %dma_start3A_58] : memref<2560x128xi32, #tpu.memory_space<hbm>> -> memref<40x128xi32, #tpu.memory_space<hbm>>
        %dma_start3A_60 = arith.constant 0 : i32
        %dma_start3A_61 = tpu.memref_slice %arg3[%add3A_24, %dma_start3A_60] : memref<2560x128xi32, #tpu.memory_space<hbm>> -> memref<40x128xi32, #tpu.memory_space<hbm>>
        tpu.enqueue_dma source(%dma_start3A_61 : memref<40x128xi32, #tpu.memory_space<hbm>>) target(%arg6 : memref<40x128xi32, #tpu.memory_space<vmem>>) target_semaphore(%run_scoped3A_57 : memref<!tpu.dma_semaphore, #tpu.memory_space<semaphore_mem>>)
        %dma_wait3A_62 = arith.constant 0 : i32
        %dma_wait3A_63 = tpu.memref_slice %arg3[%add3A_24, %dma_wait3A_62] : memref<2560x128xi32, #tpu.memory_space<hbm>> -> memref<40x128xi32, #tpu.memory_space<hbm>>
        %dma_wait3A_64 = arith.constant 0 : i32
        %dma_wait3A_65 = tpu.memref_slice %arg3[%add3A_24, %dma_wait3A_64] : memref<2560x128xi32, #tpu.memory_space<hbm>> -> memref<40x128xi32, #tpu.memory_space<hbm>>
        tpu.wait_dma2 semaphore(%run_scoped3A_57 : memref<!tpu.dma_semaphore, #tpu.memory_space<semaphore_mem>>) src(%dma_wait3A_65 : memref<40x128xi32, #tpu.memory_space<hbm>>) dst(%arg6 : memref<40x128xi32, #tpu.memory_space<vmem>>)
        tpu.yield
      }) : () -> ()
      "tpu.region"() ({
        %run_scoped3A_57 = tpu.sem_alloc : memref<!tpu.dma_semaphore, #tpu.memory_space<semaphore_mem>>
        %dma_start3A_58 = arith.constant 0 : i32
        %dma_start3A_59 = tpu.memref_slice %arg4[%add3A_24, %dma_start3A_58] : memref<2560x128xi32, #tpu.memory_space<hbm>> -> memref<40x128xi32, #tpu.memory_space<hbm>>
        %dma_start3A_60 = arith.constant 0 : i32
        %dma_start3A_61 = tpu.memref_slice %arg4[%add3A_24, %dma_start3A_60] : memref<2560x128xi32, #tpu.memory_space<hbm>> -> memref<40x128xi32, #tpu.memory_space<hbm>>
        tpu.enqueue_dma source(%dma_start3A_61 : memref<40x128xi32, #tpu.memory_space<hbm>>) target(%arg7 : memref<40x128xi32, #tpu.memory_space<vmem>>) target_semaphore(%run_scoped3A_57 : memref<!tpu.dma_semaphore, #tpu.memory_space<semaphore_mem>>)
        %dma_wait3A_62 = arith.constant 0 : i32
        %dma_wait3A_63 = tpu.memref_slice %arg4[%add3A_24, %dma_wait3A_62] : memref<2560x128xi32, #tpu.memory_space<hbm>> -> memref<40x128xi32, #tpu.memory_space<hbm>>
        %dma_wait3A_64 = arith.constant 0 : i32
        %dma_wait3A_65 = tpu.memref_slice %arg4[%add3A_24, %dma_wait3A_64] : memref<2560x128xi32, #tpu.memory_space<hbm>> -> memref<40x128xi32, #tpu.memory_space<hbm>>
        tpu.wait_dma2 semaphore(%run_scoped3A_57 : memref<!tpu.dma_semaphore, #tpu.memory_space<semaphore_mem>>) src(%dma_wait3A_65 : memref<40x128xi32, #tpu.memory_space<hbm>>) dst(%arg7 : memref<40x128xi32, #tpu.memory_space<vmem>>)
        tpu.yield
      }) : () -> ()
      %dma_start3A = arith.constant 0 : i32
      %dma_start3A_25 = arith.constant 0 : i32
      %dma_start3A_26 = tpu.memref_slice %arg6[%dma_start3A, %dma_start3A_25] : memref<40x128xi32, #tpu.memory_space<vmem>> -> memref<1x128xi32, #tpu.memory_space<vmem>>
      %dma_start3A_27 = tpu.memref_squeeze %dma_start3A_26 : memref<1x128xi32, #tpu.memory_space<vmem>> -> memref<128xi32, #tpu.memory_space<vmem>>
      %dma_start3A_28 = arith.constant 0 : i32
      %dma_start3A_29 = arith.constant 0 : i32
      %dma_start3A_30 = tpu.memref_slice %arg2[%dma_start3A_28, %dma_start3A_29] : memref<10000x128xf32, #tpu.memory_space<hbm>> -> memref<10000x128xf32, #tpu.memory_space<hbm>>
      tpu.enqueue_indirect_dma source(%dma_start3A_30 : memref<10000x128xf32, #tpu.memory_space<hbm>>) target(%arg8 : memref<128x128xf32, #tpu.memory_space<vmem>>) offsets(%dma_start3A_27 : memref<128xi32, #tpu.memory_space<vmem>>) semaphore(%arg11 : memref<!tpu.dma_semaphore, #tpu.memory_space<semaphore_mem>>)
      %dma_start3A_31 = arith.constant 1 : i32
      %dma_start3A_32 = arith.constant 0 : i32
      %dma_start3A_33 = tpu.memref_slice %arg6[%dma_start3A_31, %dma_start3A_32] : memref<40x128xi32, #tpu.memory_space<vmem>> -> memref<1x128xi32, #tpu.memory_space<vmem>>
      %dma_start3A_34 = tpu.memref_squeeze %dma_start3A_33 : memref<1x128xi32, #tpu.memory_space<vmem>> -> memref<128xi32, #tpu.memory_space<vmem>>
      %dma_start3A_35 = arith.constant 0 : i32
      %dma_start3A_36 = arith.constant 0 : i32
      %dma_start3A_37 = tpu.memref_slice %arg2[%dma_start3A_35, %dma_start3A_36] : memref<10000x128xf32, #tpu.memory_space<hbm>> -> memref<10000x128xf32, #tpu.memory_space<hbm>>
      tpu.enqueue_indirect_dma source(%dma_start3A_37 : memref<10000x128xf32, #tpu.memory_space<hbm>>) target(%arg9 : memref<128x128xf32, #tpu.memory_space<vmem>>) offsets(%dma_start3A_34 : memref<128xi32, #tpu.memory_space<vmem>>) semaphore(%arg12 : memref<!tpu.dma_semaphore, #tpu.memory_space<semaphore_mem>>)
      %scan3A_38 = arith.constant 0 : i32
      %scan3A_39 = arith.constant 19 : i32
      %scan3A_40 = arith.addi %scan3A_38, %scan3A_39 : i32
      %scan3A_41 = arith.constant 1 : i32
      scf.for %scan3A_57 = %scan3A_38 to %scan3A_40 step %scan3A_41  : i32 {
        %mul3A_58 = arith.constant 2 : i32
        %mul3A_59 = arith.muli %scan3A_57, %mul3A_58 : i32
        %add3A_60 = arith.constant 0 : i32
        %add3A_61 = arith.addi %add3A_60, %mul3A_59 : i32
        %dma_wait3A_62 = arith.constant 0 : i32
        %dma_wait3A_63 = tpu.memref_slice %arg6[%add3A_61, %dma_wait3A_62] : memref<40x128xi32, #tpu.memory_space<vmem>> -> memref<1x128xi32, #tpu.memory_space<vmem>>
        %dma_wait3A_64 = tpu.memref_squeeze %dma_wait3A_63 : memref<1x128xi32, #tpu.memory_space<vmem>> -> memref<128xi32, #tpu.memory_space<vmem>>
        %dma_wait3A_65 = arith.constant 0 : i32
        %dma_wait3A_66 = arith.constant 0 : i32
        %dma_wait3A_67 = tpu.memref_slice %arg2[%dma_wait3A_65, %dma_wait3A_66] : memref<10000x128xf32, #tpu.memory_space<hbm>> -> memref<10000x128xf32, #tpu.memory_space<hbm>>
        tpu.wait_indirect_dma semaphore(%arg11 : memref<!tpu.dma_semaphore, #tpu.memory_space<semaphore_mem>>) src(%dma_wait3A_67 : memref<10000x128xf32, #tpu.memory_space<hbm>>) dst(%arg8 : memref<128x128xf32, #tpu.memory_space<vmem>>)
        "tpu.region"() ({
          %run_scoped3A_94 = tpu.sem_alloc : memref<!tpu.dma_semaphore, #tpu.memory_space<semaphore_mem>>
          %dma_start3A_95 = arith.constant 0 : i32
          %dma_start3A_96 = tpu.memref_slice %arg7[%add3A_61, %dma_start3A_95] : memref<40x128xi32, #tpu.memory_space<vmem>> -> memref<1x128xi32, #tpu.memory_space<vmem>>
          %dma_start3A_97 = tpu.memref_squeeze %dma_start3A_96 : memref<1x128xi32, #tpu.memory_space<vmem>> -> memref<128xi32, #tpu.memory_space<vmem>>
          %dma_start3A_98 = arith.constant 0 : i32
          %dma_start3A_99 = arith.constant 0 : i32
          %dma_start3A_100 = tpu.memref_slice %arg10[%dma_start3A_98, %dma_start3A_99] : memref<10128x128xf32, #tpu.memory_space<vmem_shared>> -> memref<10128x128xf32, #tpu.memory_space<vmem_shared>>
          tpu.enqueue_indirect_dma source(%arg8 : memref<128x128xf32, #tpu.memory_space<vmem>>) target(%dma_start3A_100 : memref<10128x128xf32, #tpu.memory_space<vmem_shared>>) offsets(%dma_start3A_97 : memref<128xi32, #tpu.memory_space<vmem>>) semaphore(%run_scoped3A_94 : memref<!tpu.dma_semaphore, #tpu.memory_space<semaphore_mem>>) {add = true}
          %dma_wait3A_101 = arith.constant 0 : i32
          %dma_wait3A_102 = tpu.memref_slice %arg7[%add3A_61, %dma_wait3A_101] : memref<40x128xi32, #tpu.memory_space<vmem>> -> memref<1x128xi32, #tpu.memory_space<vmem>>
          %dma_wait3A_103 = tpu.memref_squeeze %dma_wait3A_102 : memref<1x128xi32, #tpu.memory_space<vmem>> -> memref<128xi32, #tpu.memory_space<vmem>>
          %dma_wait3A_104 = arith.constant 0 : i32
          %dma_wait3A_105 = arith.constant 0 : i32
          %dma_wait3A_106 = tpu.memref_slice %arg10[%dma_wait3A_104, %dma_wait3A_105] : memref<10128x128xf32, #tpu.memory_space<vmem_shared>> -> memref<10128x128xf32, #tpu.memory_space<vmem_shared>>
          tpu.wait_indirect_dma semaphore(%run_scoped3A_94 : memref<!tpu.dma_semaphore, #tpu.memory_space<semaphore_mem>>) src(%arg8 : memref<128x128xf32, #tpu.memory_space<vmem>>) dst(%dma_wait3A_106 : memref<10128x128xf32, #tpu.memory_space<vmem_shared>>)
          tpu.yield
        }) : () -> ()
        %add3A_68 = arith.constant 2 : i32
        %add3A_69 = arith.addi %add3A_61, %add3A_68 : i32
        %dma_start3A_70 = arith.constant 0 : i32
        %dma_start3A_71 = tpu.memref_slice %arg6[%add3A_69, %dma_start3A_70] : memref<40x128xi32, #tpu.memory_space<vmem>> -> memref<1x128xi32, #tpu.memory_space<vmem>>
        %dma_start3A_72 = tpu.memref_squeeze %dma_start3A_71 : memref<1x128xi32, #tpu.memory_space<vmem>> -> memref<128xi32, #tpu.memory_space<vmem>>
        %dma_start3A_73 = arith.constant 0 : i32
        %dma_start3A_74 = arith.constant 0 : i32
        %dma_start3A_75 = tpu.memref_slice %arg2[%dma_start3A_73, %dma_start3A_74] : memref<10000x128xf32, #tpu.memory_space<hbm>> -> memref<10000x128xf32, #tpu.memory_space<hbm>>
        tpu.enqueue_indirect_dma source(%dma_start3A_75 : memref<10000x128xf32, #tpu.memory_space<hbm>>) target(%arg8 : memref<128x128xf32, #tpu.memory_space<vmem>>) offsets(%dma_start3A_72 : memref<128xi32, #tpu.memory_space<vmem>>) semaphore(%arg11 : memref<!tpu.dma_semaphore, #tpu.memory_space<semaphore_mem>>)
        %add3A_76 = arith.constant 1 : i32
        %add3A_77 = arith.addi %add3A_61, %add3A_76 : i32
        %dma_wait3A_78 = arith.constant 0 : i32
        %dma_wait3A_79 = tpu.memref_slice %arg6[%add3A_77, %dma_wait3A_78] : memref<40x128xi32, #tpu.memory_space<vmem>> -> memref<1x128xi32, #tpu.memory_space<vmem>>
        %dma_wait3A_80 = tpu.memref_squeeze %dma_wait3A_79 : memref<1x128xi32, #tpu.memory_space<vmem>> -> memref<128xi32, #tpu.memory_space<vmem>>
        %dma_wait3A_81 = arith.constant 0 : i32
        %dma_wait3A_82 = arith.constant 0 : i32
        %dma_wait3A_83 = tpu.memref_slice %arg2[%dma_wait3A_81, %dma_wait3A_82] : memref<10000x128xf32, #tpu.memory_space<hbm>> -> memref<10000x128xf32, #tpu.memory_space<hbm>>
        tpu.wait_indirect_dma semaphore(%arg12 : memref<!tpu.dma_semaphore, #tpu.memory_space<semaphore_mem>>) src(%dma_wait3A_83 : memref<10000x128xf32, #tpu.memory_space<hbm>>) dst(%arg9 : memref<128x128xf32, #tpu.memory_space<vmem>>)
        %add3A_84 = arith.constant 1 : i32
        %add3A_85 = arith.addi %add3A_61, %add3A_84 : i32
        "tpu.region"() ({
          %run_scoped3A_94 = tpu.sem_alloc : memref<!tpu.dma_semaphore, #tpu.memory_space<semaphore_mem>>
          %dma_start3A_95 = arith.constant 0 : i32
          %dma_start3A_96 = tpu.memref_slice %arg7[%add3A_85, %dma_start3A_95] : memref<40x128xi32, #tpu.memory_space<vmem>> -> memref<1x128xi32, #tpu.memory_space<vmem>>
          %dma_start3A_97 = tpu.memref_squeeze %dma_start3A_96 : memref<1x128xi32, #tpu.memory_space<vmem>> -> memref<128xi32, #tpu.memory_space<vmem>>
          %dma_start3A_98 = arith.constant 0 : i32
          %dma_start3A_99 = arith.constant 0 : i32
          %dma_start3A_100 = tpu.memref_slice %arg10[%dma_start3A_98, %dma_start3A_99] : memref<10128x128xf32, #tpu.memory_space<vmem_shared>> -> memref<10128x128xf32, #tpu.memory_space<vmem_shared>>
          tpu.enqueue_indirect_dma source(%arg9 : memref<128x128xf32, #tpu.memory_space<vmem>>) target(%dma_start3A_100 : memref<10128x128xf32, #tpu.memory_space<vmem_shared>>) offsets(%dma_start3A_97 : memref<128xi32, #tpu.memory_space<vmem>>) semaphore(%run_scoped3A_94 : memref<!tpu.dma_semaphore, #tpu.memory_space<semaphore_mem>>) {add = true}
          %dma_wait3A_101 = arith.constant 0 : i32
          %dma_wait3A_102 = tpu.memref_slice %arg7[%add3A_85, %dma_wait3A_101] : memref<40x128xi32, #tpu.memory_space<vmem>> -> memref<1x128xi32, #tpu.memory_space<vmem>>
          %dma_wait3A_103 = tpu.memref_squeeze %dma_wait3A_102 : memref<1x128xi32, #tpu.memory_space<vmem>> -> memref<128xi32, #tpu.memory_space<vmem>>
          %dma_wait3A_104 = arith.constant 0 : i32
          %dma_wait3A_105 = arith.constant 0 : i32
          %dma_wait3A_106 = tpu.memref_slice %arg10[%dma_wait3A_104, %dma_wait3A_105] : memref<10128x128xf32, #tpu.memory_space<vmem_shared>> -> memref<10128x128xf32, #tpu.memory_space<vmem_shared>>
          tpu.wait_indirect_dma semaphore(%run_scoped3A_94 : memref<!tpu.dma_semaphore, #tpu.memory_space<semaphore_mem>>) src(%arg9 : memref<128x128xf32, #tpu.memory_space<vmem>>) dst(%dma_wait3A_106 : memref<10128x128xf32, #tpu.memory_space<vmem_shared>>)
          tpu.yield
        }) : () -> ()
        %add3A_86 = arith.constant 3 : i32
        %add3A_87 = arith.addi %add3A_61, %add3A_86 : i32
        %dma_start3A_88 = arith.constant 0 : i32
        %dma_start3A_89 = tpu.memref_slice %arg6[%add3A_87, %dma_start3A_88] : memref<40x128xi32, #tpu.memory_space<vmem>> -> memref<1x128xi32, #tpu.memory_space<vmem>>
        %dma_start3A_90 = tpu.memref_squeeze %dma_start3A_89 : memref<1x128xi32, #tpu.memory_space<vmem>> -> memref<128xi32, #tpu.memory_space<vmem>>
        %dma_start3A_91 = arith.constant 0 : i32
        %dma_start3A_92 = arith.constant 0 : i32
        %dma_start3A_93 = tpu.memref_slice %arg2[%dma_start3A_91, %dma_start3A_92] : memref<10000x128xf32, #tpu.memory_space<hbm>> -> memref<10000x128xf32, #tpu.memory_space<hbm>>
        tpu.enqueue_indirect_dma source(%dma_start3A_93 : memref<10000x128xf32, #tpu.memory_space<hbm>>) target(%arg9 : memref<128x128xf32, #tpu.memory_space<vmem>>) offsets(%dma_start3A_90 : memref<128xi32, #tpu.memory_space<vmem>>) semaphore(%arg12 : memref<!tpu.dma_semaphore, #tpu.memory_space<semaphore_mem>>)
      }
      %scan3A_42 = arith.constant 19 : i32
      %dma_wait3A = arith.constant 38 : i32
      %dma_wait3A_43 = arith.constant 0 : i32
      %dma_wait3A_44 = tpu.memref_slice %arg6[%dma_wait3A, %dma_wait3A_43] : memref<40x128xi32, #tpu.memory_space<vmem>> -> memref<1x128xi32, #tpu.memory_space<vmem>>
      %dma_wait3A_45 = tpu.memref_squeeze %dma_wait3A_44 : memref<1x128xi32, #tpu.memory_space<vmem>> -> memref<128xi32, #tpu.memory_space<vmem>>
      %dma_wait3A_46 = arith.constant 0 : i32
      %dma_wait3A_47 = arith.constant 0 : i32
      %dma_wait3A_48 = tpu.memref_slice %arg2[%dma_wait3A_46, %dma_wait3A_47] : memref<10000x128xf32, #tpu.memory_space<hbm>> -> memref<10000x128xf32, #tpu.memory_space<hbm>>
      tpu.wait_indirect_dma semaphore(%arg11 : memref<!tpu.dma_semaphore, #tpu.memory_space<semaphore_mem>>) src(%dma_wait3A_48 : memref<10000x128xf32, #tpu.memory_space<hbm>>) dst(%arg8 : memref<128x128xf32, #tpu.memory_space<vmem>>)
      %run_scoped3A = arith.constant 38 : i32
      "tpu.region"() ({
        %run_scoped3A_57 = tpu.sem_alloc : memref<!tpu.dma_semaphore, #tpu.memory_space<semaphore_mem>>
        %dma_start3A_58 = arith.constant 0 : i32
        %dma_start3A_59 = tpu.memref_slice %arg7[%run_scoped3A, %dma_start3A_58] : memref<40x128xi32, #tpu.memory_space<vmem>> -> memref<1x128xi32, #tpu.memory_space<vmem>>
        %dma_start3A_60 = tpu.memref_squeeze %dma_start3A_59 : memref<1x128xi32, #tpu.memory_space<vmem>> -> memref<128xi32, #tpu.memory_space<vmem>>
        %dma_start3A_61 = arith.constant 0 : i32
        %dma_start3A_62 = arith.constant 0 : i32
        %dma_start3A_63 = tpu.memref_slice %arg10[%dma_start3A_61, %dma_start3A_62] : memref<10128x128xf32, #tpu.memory_space<vmem_shared>> -> memref<10128x128xf32, #tpu.memory_space<vmem_shared>>
        tpu.enqueue_indirect_dma source(%arg8 : memref<128x128xf32, #tpu.memory_space<vmem>>) target(%dma_start3A_63 : memref<10128x128xf32, #tpu.memory_space<vmem_shared>>) offsets(%dma_start3A_60 : memref<128xi32, #tpu.memory_space<vmem>>) semaphore(%run_scoped3A_57 : memref<!tpu.dma_semaphore, #tpu.memory_space<semaphore_mem>>) {add = true}
        %dma_wait3A_64 = arith.constant 0 : i32
        %dma_wait3A_65 = tpu.memref_slice %arg7[%run_scoped3A, %dma_wait3A_64] : memref<40x128xi32, #tpu.memory_space<vmem>> -> memref<1x128xi32, #tpu.memory_space<vmem>>
        %dma_wait3A_66 = tpu.memref_squeeze %dma_wait3A_65 : memref<1x128xi32, #tpu.memory_space<vmem>> -> memref<128xi32, #tpu.memory_space<vmem>>
        %dma_wait3A_67 = arith.constant 0 : i32
        %dma_wait3A_68 = arith.constant 0 : i32
        %dma_wait3A_69 = tpu.memref_slice %arg10[%dma_wait3A_67, %dma_wait3A_68] : memref<10128x128xf32, #tpu.memory_space<vmem_shared>> -> memref<10128x128xf32, #tpu.memory_space<vmem_shared>>
        tpu.wait_indirect_dma semaphore(%run_scoped3A_57 : memref<!tpu.dma_semaphore, #tpu.memory_space<semaphore_mem>>) src(%arg8 : memref<128x128xf32, #tpu.memory_space<vmem>>) dst(%dma_wait3A_69 : memref<10128x128xf32, #tpu.memory_space<vmem_shared>>)
        tpu.yield
      }) : () -> ()
      %dma_wait3A_49 = arith.constant 39 : i32
      %dma_wait3A_50 = arith.constant 0 : i32
      %dma_wait3A_51 = tpu.memref_slice %arg6[%dma_wait3A_49, %dma_wait3A_50] : memref<40x128xi32, #tpu.memory_space<vmem>> -> memref<1x128xi32, #tpu.memory_space<vmem>>
      %dma_wait3A_52 = tpu.memref_squeeze %dma_wait3A_51 : memref<1x128xi32, #tpu.memory_space<vmem>> -> memref<128xi32, #tpu.memory_space<vmem>>
      %dma_wait3A_53 = arith.constant 0 : i32
      %dma_wait3A_54 = arith.constant 0 : i32
      %dma_wait3A_55 = tpu.memref_slice %arg2[%dma_wait3A_53, %dma_wait3A_54] : memref<10000x128xf32, #tpu.memory_space<hbm>> -> memref<10000x128xf32, #tpu.memory_space<hbm>>
      tpu.wait_indirect_dma semaphore(%arg12 : memref<!tpu.dma_semaphore, #tpu.memory_space<semaphore_mem>>) src(%dma_wait3A_55 : memref<10000x128xf32, #tpu.memory_space<hbm>>) dst(%arg9 : memref<128x128xf32, #tpu.memory_space<vmem>>)
      %run_scoped3A_56 = arith.constant 39 : i32
      "tpu.region"() ({
        %run_scoped3A_57 = tpu.sem_alloc : memref<!tpu.dma_semaphore, #tpu.memory_space<semaphore_mem>>
        %dma_start3A_58 = arith.constant 0 : i32
        %dma_start3A_59 = tpu.memref_slice %arg7[%run_scoped3A_56, %dma_start3A_58] : memref<40x128xi32, #tpu.memory_space<vmem>> -> memref<1x128xi32, #tpu.memory_space<vmem>>
        %dma_start3A_60 = tpu.memref_squeeze %dma_start3A_59 : memref<1x128xi32, #tpu.memory_space<vmem>> -> memref<128xi32, #tpu.memory_space<vmem>>
        %dma_start3A_61 = arith.constant 0 : i32
        %dma_start3A_62 = arith.constant 0 : i32
        %dma_start3A_63 = tpu.memref_slice %arg10[%dma_start3A_61, %dma_start3A_62] : memref<10128x128xf32, #tpu.memory_space<vmem_shared>> -> memref<10128x128xf32, #tpu.memory_space<vmem_shared>>
        tpu.enqueue_indirect_dma source(%arg9 : memref<128x128xf32, #tpu.memory_space<vmem>>) target(%dma_start3A_63 : memref<10128x128xf32, #tpu.memory_space<vmem_shared>>) offsets(%dma_start3A_60 : memref<128xi32, #tpu.memory_space<vmem>>) semaphore(%run_scoped3A_57 : memref<!tpu.dma_semaphore, #tpu.memory_space<semaphore_mem>>) {add = true}
        %dma_wait3A_64 = arith.constant 0 : i32
        %dma_wait3A_65 = tpu.memref_slice %arg7[%run_scoped3A_56, %dma_wait3A_64] : memref<40x128xi32, #tpu.memory_space<vmem>> -> memref<1x128xi32, #tpu.memory_space<vmem>>
        %dma_wait3A_66 = tpu.memref_squeeze %dma_wait3A_65 : memref<1x128xi32, #tpu.memory_space<vmem>> -> memref<128xi32, #tpu.memory_space<vmem>>
        %dma_wait3A_67 = arith.constant 0 : i32
        %dma_wait3A_68 = arith.constant 0 : i32
        %dma_wait3A_69 = tpu.memref_slice %arg10[%dma_wait3A_67, %dma_wait3A_68] : memref<10128x128xf32, #tpu.memory_space<vmem_shared>> -> memref<10128x128xf32, #tpu.memory_space<vmem_shared>>
        tpu.wait_indirect_dma semaphore(%run_scoped3A_57 : memref<!tpu.dma_semaphore, #tpu.memory_space<semaphore_mem>>) src(%arg9 : memref<128x128xf32, #tpu.memory_space<vmem>>) dst(%dma_wait3A_69 : memref<10128x128xf32, #tpu.memory_space<vmem_shared>>)
        tpu.yield
      }) : () -> ()
    }
    %scan3A_10 = arith.constant 2 : i32
    "tpu.trace_stop"() : () -> ()
    %barrier3A_11 = arith.constant 0 : index
    tpu.barrier barrier_id(%barrier3A_11)
    "tpu.trace_start"() <{level = 10 : i32, message = "agg_out"}> : () -> ()
    "tpu.region"() ({
      %run_scoped3A = tpu.sem_alloc : memref<!tpu.dma_semaphore, #tpu.memory_space<semaphore_mem>>
      %dma_start3A = arith.constant 0 : i32
      %dma_start3A_17 = tpu.memref_slice %arg5[%arg0, %mul3A_0, %dma_start3A] : memref<2x10000x128xf32, #tpu.memory_space<hbm>> -> memref<1x624x128xf32, #tpu.memory_space<hbm>>
      %dma_start3A_18 = tpu.memref_squeeze %dma_start3A_17 : memref<1x624x128xf32, #tpu.memory_space<hbm>> -> memref<624x128xf32, #tpu.memory_space<hbm>>
      %dma_start3A_19 = arith.constant 0 : i32
      %dma_start3A_20 = tpu.memref_slice %arg10[%mul3A_0, %dma_start3A_19] : memref<10128x128xf32, #tpu.memory_space<vmem_shared>> -> memref<624x128xf32, #tpu.memory_space<vmem_shared>>
      tpu.enqueue_dma source(%dma_start3A_20 : memref<624x128xf32, #tpu.memory_space<vmem_shared>>) target(%dma_start3A_18 : memref<624x128xf32, #tpu.memory_space<hbm>>) target_semaphore(%run_scoped3A : memref<!tpu.dma_semaphore, #tpu.memory_space<semaphore_mem>>)
      %dma_wait3A = arith.constant 0 : i32
      %dma_wait3A_21 = tpu.memref_slice %arg5[%arg0, %mul3A_0, %dma_wait3A] : memref<2x10000x128xf32, #tpu.memory_space<hbm>> -> memref<1x624x128xf32, #tpu.memory_space<hbm>>
      %dma_wait3A_22 = tpu.memref_squeeze %dma_wait3A_21 : memref<1x624x128xf32, #tpu.memory_space<hbm>> -> memref<624x128xf32, #tpu.memory_space<hbm>>
      %dma_wait3A_23 = arith.constant 0 : i32
      %dma_wait3A_24 = tpu.memref_slice %arg10[%mul3A_0, %dma_wait3A_23] : memref<10128x128xf32, #tpu.memory_space<vmem_shared>> -> memref<624x128xf32, #tpu.memory_space<vmem_shared>>
      tpu.wait_dma2 semaphore(%run_scoped3A : memref<!tpu.dma_semaphore, #tpu.memory_space<semaphore_mem>>) src(%dma_wait3A_24 : memref<624x128xf32, #tpu.memory_space<vmem_shared>>) dst(%dma_wait3A_22 : memref<624x128xf32, #tpu.memory_space<hbm>>)
      tpu.yield
    }) : () -> ()
    %eq3A_12 = arith.constant 15 : i32
    %eq3A_13 = arith.cmpi eq, %arg1, %eq3A_12 : i32
    %convert_element_type3A_14 = arith.extui %eq3A_13 : i1 to i32
    %cond3A_15 = arith.constant 0 : i32
    %cond3A_16 = arith.cmpi ne, %convert_element_type3A_14, %cond3A_15 : i32
    scf.if %cond3A_16 {
      "tpu.region"() ({
        %run_scoped3A = tpu.sem_alloc : memref<!tpu.dma_semaphore, #tpu.memory_space<semaphore_mem>>
        %dma_start3A = arith.constant 9984 : i32
        %dma_start3A_17 = arith.constant 0 : i32
        %dma_start3A_18 = tpu.memref_slice %arg5[%arg0, %dma_start3A, %dma_start3A_17] : memref<2x10000x128xf32, #tpu.memory_space<hbm>> -> memref<1x16x128xf32, #tpu.memory_space<hbm>>
        %dma_start3A_19 = tpu.memref_squeeze %dma_start3A_18 : memref<1x16x128xf32, #tpu.memory_space<hbm>> -> memref<16x128xf32, #tpu.memory_space<hbm>>
        %dma_start3A_20 = arith.constant 9984 : i32
        %dma_start3A_21 = arith.constant 0 : i32
        %dma_start3A_22 = tpu.memref_slice %arg10[%dma_start3A_20, %dma_start3A_21] : memref<10128x128xf32, #tpu.memory_space<vmem_shared>> -> memref<16x128xf32, #tpu.memory_space<vmem_shared>>
        tpu.enqueue_dma source(%dma_start3A_22 : memref<16x128xf32, #tpu.memory_space<vmem_shared>>) target(%dma_start3A_19 : memref<16x128xf32, #tpu.memory_space<hbm>>) target_semaphore(%run_scoped3A : memref<!tpu.dma_semaphore, #tpu.memory_space<semaphore_mem>>)
        %dma_wait3A = arith.constant 9984 : i32
        %dma_wait3A_23 = arith.constant 0 : i32
        %dma_wait3A_24 = tpu.memref_slice %arg5[%arg0, %dma_wait3A, %dma_wait3A_23] : memref<2x10000x128xf32, #tpu.memory_space<hbm>> -> memref<1x16x128xf32, #tpu.memory_space<hbm>>
        %dma_wait3A_25 = tpu.memref_squeeze %dma_wait3A_24 : memref<1x16x128xf32, #tpu.memory_space<hbm>> -> memref<16x128xf32, #tpu.memory_space<hbm>>
        %dma_wait3A_26 = arith.constant 9984 : i32
        %dma_wait3A_27 = arith.constant 0 : i32
        %dma_wait3A_28 = tpu.memref_slice %arg10[%dma_wait3A_26, %dma_wait3A_27] : memref<10128x128xf32, #tpu.memory_space<vmem_shared>> -> memref<16x128xf32, #tpu.memory_space<vmem_shared>>
        tpu.wait_dma2 semaphore(%run_scoped3A : memref<!tpu.dma_semaphore, #tpu.memory_space<semaphore_mem>>) src(%dma_wait3A_28 : memref<16x128xf32, #tpu.memory_space<vmem_shared>>) dst(%dma_wait3A_25 : memref<16x128xf32, #tpu.memory_space<hbm>>)
        tpu.yield
      }) : () -> ()
    } else {
    }
    "tpu.trace_stop"() : () -> ()
    return
  }
}

#map = affine_map<(d0, d1) -> (0, 0)>
#map1 = affine_map<(d0, d1) -> (0, 0, 0)>
module attributes {stable_mosaic.version = 14 : i64} {
  func.func @_agg(%arg0: i32, %arg1: i32, %arg2: memref<10000x128xf32, #tpu.memory_space<hbm>>, %arg3: memref<2560x128xi32, #tpu.memory_space<hbm>>, %arg4: memref<2560x128xi32, #tpu.memory_space<hbm>>, %arg5: memref<2x10000x128xf32, #tpu.memory_space<hbm>>, %arg6: memref<40x128xi32, #tpu.memory_space<vmem>>, %arg7: memref<40x128xi32, #tpu.memory_space<vmem>>, %arg8: memref<128x128xf32, #tpu.memory_space<vmem>>, %arg9: memref<128x128xf32, #tpu.memory_space<vmem>>, %arg10: memref<10128x128xf32, #tpu.memory_space<vmem_shared>>, %arg11: memref<!tpu.dma_semaphore, #tpu.memory_space<semaphore_mem>>, %arg12: memref<!tpu.dma_semaphore, #tpu.memory_space<semaphore_mem>>) attributes {dimension_semantics = [#tpu.dimension_semantics<core_parallel>, #tpu.dimension_semantics<subcore_parallel>], iteration_bounds = array<i64: 2, 16>, scalar_prefetch = 0 : i64, scratch_operands = 7 : i64, tpu.core_type = #tpu.core_type<sc_vector_subcore>, window_params = [{transform_indices = #map}, {transform_indices = #map}, {transform_indices = #map}, {transform_indices = #map1}]} {
    %mul3A = arith.constant 624 : i32
    %mul3A_0 = arith.muli %arg1, %mul3A : i32
    "tpu.trace_start"() <{level = 10 : i32, message = "agg_init"}> : () -> ()
    "tpu.region"() ({
      %run_scoped3A = tpu.sem_alloc : memref<!tpu.dma_semaphore, #tpu.memory_space<semaphore_mem>>
      %dma_start3A = arith.constant 0 : i32
      %dma_start3A_17 = tpu.memref_slice %arg10[%mul3A_0, %dma_start3A] : memref<10128x128xf32, #tpu.memory_space<vmem_shared>> -> memref<624x128xf32, #tpu.memory_space<vmem_shared>>
      %dma_start3A_18 = arith.constant 0 : i32
      %dma_start3A_19 = tpu.memref_slice %arg2[%mul3A_0, %dma_start3A_18] : memref<10000x128xf32, #tpu.memory_space<hbm>> -> memref<624x128xf32, #tpu.memory_space<hbm>>
      tpu.enqueue_dma source(%dma_start3A_19 : memref<624x128xf32, #tpu.memory_space<hbm>>) target(%dma_start3A_17 : memref<624x128xf32, #tpu.memory_space<vmem_shared>>) target_semaphore(%run_scoped3A : memref<!tpu.dma_semaphore, #tpu.memory_space<semaphore_mem>>)
      %dma_wait3A = arith.constant 0 : i32
      %dma_wait3A_20 = tpu.memref_slice %arg10[%mul3A_0, %dma_wait3A] : memref<10128x128xf32, #tpu.memory_space<vmem_shared>> -> memref<624x128xf32, #tpu.memory_space<vmem_shared>>
      %dma_wait3A_21 = arith.constant 0 : i32
      %dma_wait3A_22 = tpu.memref_slice %arg2[%mul3A_0, %dma_wait3A_21] : memref<10000x128xf32, #tpu.memory_space<hbm>> -> memref<624x128xf32, #tpu.memory_space<hbm>>
      tpu.wait_dma2 semaphore(%run_scoped3A : memref<!tpu.dma_semaphore, #tpu.memory_space<semaphore_mem>>) src(%dma_wait3A_22 : memref<624x128xf32, #tpu.memory_space<hbm>>) dst(%dma_wait3A_20 : memref<624x128xf32, #tpu.memory_space<vmem_shared>>)
      tpu.yield
    }) : () -> ()
    %eq3A = arith.constant 15 : i32
    %eq3A_1 = arith.cmpi eq, %arg1, %eq3A : i32
    %convert_element_type3A = arith.extui %eq3A_1 : i1 to i32
    %cond3A = arith.constant 0 : i32
    %cond3A_2 = arith.cmpi ne, %convert_element_type3A, %cond3A : i32
    scf.if %cond3A_2 {
      "tpu.region"() ({
        %run_scoped3A = tpu.sem_alloc : memref<!tpu.dma_semaphore, #tpu.memory_space<semaphore_mem>>
        %dma_start3A = arith.constant 9984 : i32
        %dma_start3A_17 = arith.constant 0 : i32
        %dma_start3A_18 = tpu.memref_slice %arg10[%dma_start3A, %dma_start3A_17] : memref<10128x128xf32, #tpu.memory_space<vmem_shared>> -> memref<16x128xf32, #tpu.memory_space<vmem_shared>>
        %dma_start3A_19 = arith.constant 9984 : i32
        %dma_start3A_20 = arith.constant 0 : i32
        %dma_start3A_21 = tpu.memref_slice %arg2[%dma_start3A_19, %dma_start3A_20] : memref<10000x128xf32, #tpu.memory_space<hbm>> -> memref<16x128xf32, #tpu.memory_space<hbm>>
        tpu.enqueue_dma source(%dma_start3A_21 : memref<16x128xf32, #tpu.memory_space<hbm>>) target(%dma_start3A_18 : memref<16x128xf32, #tpu.memory_space<vmem_shared>>) target_semaphore(%run_scoped3A : memref<!tpu.dma_semaphore, #tpu.memory_space<semaphore_mem>>)
        %dma_wait3A = arith.constant 9984 : i32
        %dma_wait3A_22 = arith.constant 0 : i32
        %dma_wait3A_23 = tpu.memref_slice %arg10[%dma_wait3A, %dma_wait3A_22] : memref<10128x128xf32, #tpu.memory_space<vmem_shared>> -> memref<16x128xf32, #tpu.memory_space<vmem_shared>>
        %dma_wait3A_24 = arith.constant 9984 : i32
        %dma_wait3A_25 = arith.constant 0 : i32
        %dma_wait3A_26 = tpu.memref_slice %arg2[%dma_wait3A_24, %dma_wait3A_25] : memref<10000x128xf32, #tpu.memory_space<hbm>> -> memref<16x128xf32, #tpu.memory_space<hbm>>
        tpu.wait_dma2 semaphore(%run_scoped3A : memref<!tpu.dma_semaphore, #tpu.memory_space<semaphore_mem>>) src(%dma_wait3A_26 : memref<16x128xf32, #tpu.memory_space<hbm>>) dst(%dma_wait3A_23 : memref<16x128xf32, #tpu.memory_space<vmem_shared>>)
        tpu.yield
      }) : () -> ()
    } else {
    }
    %barrier3A = arith.constant 0 : index
    tpu.barrier barrier_id(%barrier3A)
    "tpu.trace_stop"() : () -> ()
    "tpu.trace_start"() <{level = 10 : i32, message = "agg_edges"}> : () -> ()
    %mul3A_3 = arith.constant 16 : i32
    %mul3A_4 = arith.muli %arg0, %mul3A_3 : i32
    %add3A = arith.addi %mul3A_4, %arg1 : i32
    %mul3A_5 = arith.constant 80 : i32
    %mul3A_6 = arith.muli %add3A, %mul3A_5 : i32
    %scan3A = arith.constant 0 : i32
    %scan3A_7 = arith.constant 2 : i32
    %scan3A_8 = arith.addi %scan3A, %scan3A_7 : i32
    %scan3A_9 = arith.constant 1 : i32
    scf.for %scan3A_17 = %scan3A to %scan3A_8 step %scan3A_9  : i32 {
      %mul3A_18 = arith.constant 1 : i32
      %mul3A_19 = arith.muli %scan3A_17, %mul3A_18 : i32
      %add3A_20 = arith.constant 0 : i32
      %add3A_21 = arith.addi %add3A_20, %mul3A_19 : i32
      %mul3A_22 = arith.constant 40 : i32
      %mul3A_23 = arith.muli %add3A_21, %mul3A_22 : i32
      %add3A_24 = arith.addi %mul3A_6, %mul3A_23 : i32
      "tpu.region"() ({
        %run_scoped3A_57 = tpu.sem_alloc : memref<!tpu.dma_semaphore, #tpu.memory_space<semaphore_mem>>
        %dma_start3A_58 = arith.constant 0 : i32
        %dma_start3A_59 = tpu.memref_slice %arg3[%add3A_24, %dma_start3A_58] : memref<2560x128xi32, #tpu.memory_space<hbm>> -> memref<40x128xi32, #tpu.memory_space<hbm>>
        %dma_start3A_60 = arith.constant 0 : i32
        %dma_start3A_61 = tpu.memref_slice %arg3[%add3A_24, %dma_start3A_60] : memref<2560x128xi32, #tpu.memory_space<hbm>> -> memref<40x128xi32, #tpu.memory_space<hbm>>
        tpu.enqueue_dma source(%dma_start3A_61 : memref<40x128xi32, #tpu.memory_space<hbm>>) target(%arg6 : memref<40x128xi32, #tpu.memory_space<vmem>>) target_semaphore(%run_scoped3A_57 : memref<!tpu.dma_semaphore, #tpu.memory_space<semaphore_mem>>)
        %dma_wait3A_62 = arith.constant 0 : i32
        %dma_wait3A_63 = tpu.memref_slice %arg3[%add3A_24, %dma_wait3A_62] : memref<2560x128xi32, #tpu.memory_space<hbm>> -> memref<40x128xi32, #tpu.memory_space<hbm>>
        %dma_wait3A_64 = arith.constant 0 : i32
        %dma_wait3A_65 = tpu.memref_slice %arg3[%add3A_24, %dma_wait3A_64] : memref<2560x128xi32, #tpu.memory_space<hbm>> -> memref<40x128xi32, #tpu.memory_space<hbm>>
        tpu.wait_dma2 semaphore(%run_scoped3A_57 : memref<!tpu.dma_semaphore, #tpu.memory_space<semaphore_mem>>) src(%dma_wait3A_65 : memref<40x128xi32, #tpu.memory_space<hbm>>) dst(%arg6 : memref<40x128xi32, #tpu.memory_space<vmem>>)
        tpu.yield
      }) : () -> ()
      "tpu.region"() ({
        %run_scoped3A_57 = tpu.sem_alloc : memref<!tpu.dma_semaphore, #tpu.memory_space<semaphore_mem>>
        %dma_start3A_58 = arith.constant 0 : i32
        %dma_start3A_59 = tpu.memref_slice %arg4[%add3A_24, %dma_start3A_58] : memref<2560x128xi32, #tpu.memory_space<hbm>> -> memref<40x128xi32, #tpu.memory_space<hbm>>
        %dma_start3A_60 = arith.constant 0 : i32
        %dma_start3A_61 = tpu.memref_slice %arg4[%add3A_24, %dma_start3A_60] : memref<2560x128xi32, #tpu.memory_space<hbm>> -> memref<40x128xi32, #tpu.memory_space<hbm>>
        tpu.enqueue_dma source(%dma_start3A_61 : memref<40x128xi32, #tpu.memory_space<hbm>>) target(%arg7 : memref<40x128xi32, #tpu.memory_space<vmem>>) target_semaphore(%run_scoped3A_57 : memref<!tpu.dma_semaphore, #tpu.memory_space<semaphore_mem>>)
        %dma_wait3A_62 = arith.constant 0 : i32
        %dma_wait3A_63 = tpu.memref_slice %arg4[%add3A_24, %dma_wait3A_62] : memref<2560x128xi32, #tpu.memory_space<hbm>> -> memref<40x128xi32, #tpu.memory_space<hbm>>
        %dma_wait3A_64 = arith.constant 0 : i32
        %dma_wait3A_65 = tpu.memref_slice %arg4[%add3A_24, %dma_wait3A_64] : memref<2560x128xi32, #tpu.memory_space<hbm>> -> memref<40x128xi32, #tpu.memory_space<hbm>>
        tpu.wait_dma2 semaphore(%run_scoped3A_57 : memref<!tpu.dma_semaphore, #tpu.memory_space<semaphore_mem>>) src(%dma_wait3A_65 : memref<40x128xi32, #tpu.memory_space<hbm>>) dst(%arg7 : memref<40x128xi32, #tpu.memory_space<vmem>>)
        tpu.yield
      }) : () -> ()
      %dma_start3A = arith.constant 0 : i32
      %dma_start3A_25 = arith.constant 0 : i32
      %dma_start3A_26 = tpu.memref_slice %arg6[%dma_start3A, %dma_start3A_25] : memref<40x128xi32, #tpu.memory_space<vmem>> -> memref<1x128xi32, #tpu.memory_space<vmem>>
      %dma_start3A_27 = tpu.memref_squeeze %dma_start3A_26 : memref<1x128xi32, #tpu.memory_space<vmem>> -> memref<128xi32, #tpu.memory_space<vmem>>
      %dma_start3A_28 = arith.constant 0 : i32
      %dma_start3A_29 = arith.constant 0 : i32
      %dma_start3A_30 = tpu.memref_slice %arg2[%dma_start3A_28, %dma_start3A_29] : memref<10000x128xf32, #tpu.memory_space<hbm>> -> memref<10000x128xf32, #tpu.memory_space<hbm>>
      tpu.enqueue_indirect_dma source(%dma_start3A_30 : memref<10000x128xf32, #tpu.memory_space<hbm>>) target(%arg8 : memref<128x128xf32, #tpu.memory_space<vmem>>) offsets(%dma_start3A_27 : memref<128xi32, #tpu.memory_space<vmem>>) semaphore(%arg11 : memref<!tpu.dma_semaphore, #tpu.memory_space<semaphore_mem>>)
      %dma_start3A_31 = arith.constant 1 : i32
      %dma_start3A_32 = arith.constant 0 : i32
      %dma_start3A_33 = tpu.memref_slice %arg6[%dma_start3A_31, %dma_start3A_32] : memref<40x128xi32, #tpu.memory_space<vmem>> -> memref<1x128xi32, #tpu.memory_space<vmem>>
      %dma_start3A_34 = tpu.memref_squeeze %dma_start3A_33 : memref<1x128xi32, #tpu.memory_space<vmem>> -> memref<128xi32, #tpu.memory_space<vmem>>
      %dma_start3A_35 = arith.constant 0 : i32
      %dma_start3A_36 = arith.constant 0 : i32
      %dma_start3A_37 = tpu.memref_slice %arg2[%dma_start3A_35, %dma_start3A_36] : memref<10000x128xf32, #tpu.memory_space<hbm>> -> memref<10000x128xf32, #tpu.memory_space<hbm>>
      tpu.enqueue_indirect_dma source(%dma_start3A_37 : memref<10000x128xf32, #tpu.memory_space<hbm>>) target(%arg9 : memref<128x128xf32, #tpu.memory_space<vmem>>) offsets(%dma_start3A_34 : memref<128xi32, #tpu.memory_space<vmem>>) semaphore(%arg12 : memref<!tpu.dma_semaphore, #tpu.memory_space<semaphore_mem>>)
      %scan3A_38 = arith.constant 0 : i32
      %scan3A_39 = arith.constant 19 : i32
      %scan3A_40 = arith.addi %scan3A_38, %scan3A_39 : i32
      %scan3A_41 = arith.constant 1 : i32
      scf.for %scan3A_57 = %scan3A_38 to %scan3A_40 step %scan3A_41  : i32 {
        %mul3A_58 = arith.constant 2 : i32
        %mul3A_59 = arith.muli %scan3A_57, %mul3A_58 : i32
        %add3A_60 = arith.constant 0 : i32
        %add3A_61 = arith.addi %add3A_60, %mul3A_59 : i32
        %dma_wait3A_62 = arith.constant 0 : i32
        %dma_wait3A_63 = tpu.memref_slice %arg6[%add3A_61, %dma_wait3A_62] : memref<40x128xi32, #tpu.memory_space<vmem>> -> memref<1x128xi32, #tpu.memory_space<vmem>>
        %dma_wait3A_64 = tpu.memref_squeeze %dma_wait3A_63 : memref<1x128xi32, #tpu.memory_space<vmem>> -> memref<128xi32, #tpu.memory_space<vmem>>
        %dma_wait3A_65 = arith.constant 0 : i32
        %dma_wait3A_66 = arith.constant 0 : i32
        %dma_wait3A_67 = tpu.memref_slice %arg2[%dma_wait3A_65, %dma_wait3A_66] : memref<10000x128xf32, #tpu.memory_space<hbm>> -> memref<10000x128xf32, #tpu.memory_space<hbm>>
        tpu.wait_indirect_dma semaphore(%arg11 : memref<!tpu.dma_semaphore, #tpu.memory_space<semaphore_mem>>) src(%dma_wait3A_67 : memref<10000x128xf32, #tpu.memory_space<hbm>>) dst(%arg8 : memref<128x128xf32, #tpu.memory_space<vmem>>)
        "tpu.region"() ({
          %run_scoped3A_94 = tpu.sem_alloc : memref<!tpu.dma_semaphore, #tpu.memory_space<semaphore_mem>>
          %dma_start3A_95 = arith.constant 0 : i32
          %dma_start3A_96 = tpu.memref_slice %arg7[%add3A_61, %dma_start3A_95] : memref<40x128xi32, #tpu.memory_space<vmem>> -> memref<1x128xi32, #tpu.memory_space<vmem>>
          %dma_start3A_97 = tpu.memref_squeeze %dma_start3A_96 : memref<1x128xi32, #tpu.memory_space<vmem>> -> memref<128xi32, #tpu.memory_space<vmem>>
          %dma_start3A_98 = arith.constant 0 : i32
          %dma_start3A_99 = arith.constant 0 : i32
          %dma_start3A_100 = tpu.memref_slice %arg10[%dma_start3A_98, %dma_start3A_99] : memref<10128x128xf32, #tpu.memory_space<vmem_shared>> -> memref<10128x128xf32, #tpu.memory_space<vmem_shared>>
          tpu.enqueue_indirect_dma source(%arg8 : memref<128x128xf32, #tpu.memory_space<vmem>>) target(%dma_start3A_100 : memref<10128x128xf32, #tpu.memory_space<vmem_shared>>) offsets(%dma_start3A_97 : memref<128xi32, #tpu.memory_space<vmem>>) semaphore(%run_scoped3A_94 : memref<!tpu.dma_semaphore, #tpu.memory_space<semaphore_mem>>) {add = true}
          %dma_wait3A_101 = arith.constant 0 : i32
          %dma_wait3A_102 = tpu.memref_slice %arg7[%add3A_61, %dma_wait3A_101] : memref<40x128xi32, #tpu.memory_space<vmem>> -> memref<1x128xi32, #tpu.memory_space<vmem>>
          %dma_wait3A_103 = tpu.memref_squeeze %dma_wait3A_102 : memref<1x128xi32, #tpu.memory_space<vmem>> -> memref<128xi32, #tpu.memory_space<vmem>>
          %dma_wait3A_104 = arith.constant 0 : i32
          %dma_wait3A_105 = arith.constant 0 : i32
          %dma_wait3A_106 = tpu.memref_slice %arg10[%dma_wait3A_104, %dma_wait3A_105] : memref<10128x128xf32, #tpu.memory_space<vmem_shared>> -> memref<10128x128xf32, #tpu.memory_space<vmem_shared>>
          tpu.wait_indirect_dma semaphore(%run_scoped3A_94 : memref<!tpu.dma_semaphore, #tpu.memory_space<semaphore_mem>>) src(%arg8 : memref<128x128xf32, #tpu.memory_space<vmem>>) dst(%dma_wait3A_106 : memref<10128x128xf32, #tpu.memory_space<vmem_shared>>)
          tpu.yield
        }) : () -> ()
        %add3A_68 = arith.constant 2 : i32
        %add3A_69 = arith.addi %add3A_61, %add3A_68 : i32
        %dma_start3A_70 = arith.constant 0 : i32
        %dma_start3A_71 = tpu.memref_slice %arg6[%add3A_69, %dma_start3A_70] : memref<40x128xi32, #tpu.memory_space<vmem>> -> memref<1x128xi32, #tpu.memory_space<vmem>>
        %dma_start3A_72 = tpu.memref_squeeze %dma_start3A_71 : memref<1x128xi32, #tpu.memory_space<vmem>> -> memref<128xi32, #tpu.memory_space<vmem>>
        %dma_start3A_73 = arith.constant 0 : i32
        %dma_start3A_74 = arith.constant 0 : i32
        %dma_start3A_75 = tpu.memref_slice %arg2[%dma_start3A_73, %dma_start3A_74] : memref<10000x128xf32, #tpu.memory_space<hbm>> -> memref<10000x128xf32, #tpu.memory_space<hbm>>
        tpu.enqueue_indirect_dma source(%dma_start3A_75 : memref<10000x128xf32, #tpu.memory_space<hbm>>) target(%arg8 : memref<128x128xf32, #tpu.memory_space<vmem>>) offsets(%dma_start3A_72 : memref<128xi32, #tpu.memory_space<vmem>>) semaphore(%arg11 : memref<!tpu.dma_semaphore, #tpu.memory_space<semaphore_mem>>)
        %add3A_76 = arith.constant 1 : i32
        %add3A_77 = arith.addi %add3A_61, %add3A_76 : i32
        %dma_wait3A_78 = arith.constant 0 : i32
        %dma_wait3A_79 = tpu.memref_slice %arg6[%add3A_77, %dma_wait3A_78] : memref<40x128xi32, #tpu.memory_space<vmem>> -> memref<1x128xi32, #tpu.memory_space<vmem>>
        %dma_wait3A_80 = tpu.memref_squeeze %dma_wait3A_79 : memref<1x128xi32, #tpu.memory_space<vmem>> -> memref<128xi32, #tpu.memory_space<vmem>>
        %dma_wait3A_81 = arith.constant 0 : i32
        %dma_wait3A_82 = arith.constant 0 : i32
        %dma_wait3A_83 = tpu.memref_slice %arg2[%dma_wait3A_81, %dma_wait3A_82] : memref<10000x128xf32, #tpu.memory_space<hbm>> -> memref<10000x128xf32, #tpu.memory_space<hbm>>
        tpu.wait_indirect_dma semaphore(%arg12 : memref<!tpu.dma_semaphore, #tpu.memory_space<semaphore_mem>>) src(%dma_wait3A_83 : memref<10000x128xf32, #tpu.memory_space<hbm>>) dst(%arg9 : memref<128x128xf32, #tpu.memory_space<vmem>>)
        %add3A_84 = arith.constant 1 : i32
        %add3A_85 = arith.addi %add3A_61, %add3A_84 : i32
        "tpu.region"() ({
          %run_scoped3A_94 = tpu.sem_alloc : memref<!tpu.dma_semaphore, #tpu.memory_space<semaphore_mem>>
          %dma_start3A_95 = arith.constant 0 : i32
          %dma_start3A_96 = tpu.memref_slice %arg7[%add3A_85, %dma_start3A_95] : memref<40x128xi32, #tpu.memory_space<vmem>> -> memref<1x128xi32, #tpu.memory_space<vmem>>
          %dma_start3A_97 = tpu.memref_squeeze %dma_start3A_96 : memref<1x128xi32, #tpu.memory_space<vmem>> -> memref<128xi32, #tpu.memory_space<vmem>>
          %dma_start3A_98 = arith.constant 0 : i32
          %dma_start3A_99 = arith.constant 0 : i32
          %dma_start3A_100 = tpu.memref_slice %arg10[%dma_start3A_98, %dma_start3A_99] : memref<10128x128xf32, #tpu.memory_space<vmem_shared>> -> memref<10128x128xf32, #tpu.memory_space<vmem_shared>>
          tpu.enqueue_indirect_dma source(%arg9 : memref<128x128xf32, #tpu.memory_space<vmem>>) target(%dma_start3A_100 : memref<10128x128xf32, #tpu.memory_space<vmem_shared>>) offsets(%dma_start3A_97 : memref<128xi32, #tpu.memory_space<vmem>>) semaphore(%run_scoped3A_94 : memref<!tpu.dma_semaphore, #tpu.memory_space<semaphore_mem>>) {add = true}
          %dma_wait3A_101 = arith.constant 0 : i32
          %dma_wait3A_102 = tpu.memref_slice %arg7[%add3A_85, %dma_wait3A_101] : memref<40x128xi32, #tpu.memory_space<vmem>> -> memref<1x128xi32, #tpu.memory_space<vmem>>
          %dma_wait3A_103 = tpu.memref_squeeze %dma_wait3A_102 : memref<1x128xi32, #tpu.memory_space<vmem>> -> memref<128xi32, #tpu.memory_space<vmem>>
          %dma_wait3A_104 = arith.constant 0 : i32
          %dma_wait3A_105 = arith.constant 0 : i32
          %dma_wait3A_106 = tpu.memref_slice %arg10[%dma_wait3A_104, %dma_wait3A_105] : memref<10128x128xf32, #tpu.memory_space<vmem_shared>> -> memref<10128x128xf32, #tpu.memory_space<vmem_shared>>
          tpu.wait_indirect_dma semaphore(%run_scoped3A_94 : memref<!tpu.dma_semaphore, #tpu.memory_space<semaphore_mem>>) src(%arg9 : memref<128x128xf32, #tpu.memory_space<vmem>>) dst(%dma_wait3A_106 : memref<10128x128xf32, #tpu.memory_space<vmem_shared>>)
          tpu.yield
        }) : () -> ()
        %add3A_86 = arith.constant 3 : i32
        %add3A_87 = arith.addi %add3A_61, %add3A_86 : i32
        %dma_start3A_88 = arith.constant 0 : i32
        %dma_start3A_89 = tpu.memref_slice %arg6[%add3A_87, %dma_start3A_88] : memref<40x128xi32, #tpu.memory_space<vmem>> -> memref<1x128xi32, #tpu.memory_space<vmem>>
        %dma_start3A_90 = tpu.memref_squeeze %dma_start3A_89 : memref<1x128xi32, #tpu.memory_space<vmem>> -> memref<128xi32, #tpu.memory_space<vmem>>
        %dma_start3A_91 = arith.constant 0 : i32
        %dma_start3A_92 = arith.constant 0 : i32
        %dma_start3A_93 = tpu.memref_slice %arg2[%dma_start3A_91, %dma_start3A_92] : memref<10000x128xf32, #tpu.memory_space<hbm>> -> memref<10000x128xf32, #tpu.memory_space<hbm>>
        tpu.enqueue_indirect_dma source(%dma_start3A_93 : memref<10000x128xf32, #tpu.memory_space<hbm>>) target(%arg9 : memref<128x128xf32, #tpu.memory_space<vmem>>) offsets(%dma_start3A_90 : memref<128xi32, #tpu.memory_space<vmem>>) semaphore(%arg12 : memref<!tpu.dma_semaphore, #tpu.memory_space<semaphore_mem>>)
      }
      %scan3A_42 = arith.constant 19 : i32
      %dma_wait3A = arith.constant 38 : i32
      %dma_wait3A_43 = arith.constant 0 : i32
      %dma_wait3A_44 = tpu.memref_slice %arg6[%dma_wait3A, %dma_wait3A_43] : memref<40x128xi32, #tpu.memory_space<vmem>> -> memref<1x128xi32, #tpu.memory_space<vmem>>
      %dma_wait3A_45 = tpu.memref_squeeze %dma_wait3A_44 : memref<1x128xi32, #tpu.memory_space<vmem>> -> memref<128xi32, #tpu.memory_space<vmem>>
      %dma_wait3A_46 = arith.constant 0 : i32
      %dma_wait3A_47 = arith.constant 0 : i32
      %dma_wait3A_48 = tpu.memref_slice %arg2[%dma_wait3A_46, %dma_wait3A_47] : memref<10000x128xf32, #tpu.memory_space<hbm>> -> memref<10000x128xf32, #tpu.memory_space<hbm>>
      tpu.wait_indirect_dma semaphore(%arg11 : memref<!tpu.dma_semaphore, #tpu.memory_space<semaphore_mem>>) src(%dma_wait3A_48 : memref<10000x128xf32, #tpu.memory_space<hbm>>) dst(%arg8 : memref<128x128xf32, #tpu.memory_space<vmem>>)
      %run_scoped3A = arith.constant 38 : i32
      "tpu.region"() ({
        %run_scoped3A_57 = tpu.sem_alloc : memref<!tpu.dma_semaphore, #tpu.memory_space<semaphore_mem>>
        %dma_start3A_58 = arith.constant 0 : i32
        %dma_start3A_59 = tpu.memref_slice %arg7[%run_scoped3A, %dma_start3A_58] : memref<40x128xi32, #tpu.memory_space<vmem>> -> memref<1x128xi32, #tpu.memory_space<vmem>>
        %dma_start3A_60 = tpu.memref_squeeze %dma_start3A_59 : memref<1x128xi32, #tpu.memory_space<vmem>> -> memref<128xi32, #tpu.memory_space<vmem>>
        %dma_start3A_61 = arith.constant 0 : i32
        %dma_start3A_62 = arith.constant 0 : i32
        %dma_start3A_63 = tpu.memref_slice %arg10[%dma_start3A_61, %dma_start3A_62] : memref<10128x128xf32, #tpu.memory_space<vmem_shared>> -> memref<10128x128xf32, #tpu.memory_space<vmem_shared>>
        tpu.enqueue_indirect_dma source(%arg8 : memref<128x128xf32, #tpu.memory_space<vmem>>) target(%dma_start3A_63 : memref<10128x128xf32, #tpu.memory_space<vmem_shared>>) offsets(%dma_start3A_60 : memref<128xi32, #tpu.memory_space<vmem>>) semaphore(%run_scoped3A_57 : memref<!tpu.dma_semaphore, #tpu.memory_space<semaphore_mem>>) {add = true}
        %dma_wait3A_64 = arith.constant 0 : i32
        %dma_wait3A_65 = tpu.memref_slice %arg7[%run_scoped3A, %dma_wait3A_64] : memref<40x128xi32, #tpu.memory_space<vmem>> -> memref<1x128xi32, #tpu.memory_space<vmem>>
        %dma_wait3A_66 = tpu.memref_squeeze %dma_wait3A_65 : memref<1x128xi32, #tpu.memory_space<vmem>> -> memref<128xi32, #tpu.memory_space<vmem>>
        %dma_wait3A_67 = arith.constant 0 : i32
        %dma_wait3A_68 = arith.constant 0 : i32
        %dma_wait3A_69 = tpu.memref_slice %arg10[%dma_wait3A_67, %dma_wait3A_68] : memref<10128x128xf32, #tpu.memory_space<vmem_shared>> -> memref<10128x128xf32, #tpu.memory_space<vmem_shared>>
        tpu.wait_indirect_dma semaphore(%run_scoped3A_57 : memref<!tpu.dma_semaphore, #tpu.memory_space<semaphore_mem>>) src(%arg8 : memref<128x128xf32, #tpu.memory_space<vmem>>) dst(%dma_wait3A_69 : memref<10128x128xf32, #tpu.memory_space<vmem_shared>>)
        tpu.yield
      }) : () -> ()
      %dma_wait3A_49 = arith.constant 39 : i32
      %dma_wait3A_50 = arith.constant 0 : i32
      %dma_wait3A_51 = tpu.memref_slice %arg6[%dma_wait3A_49, %dma_wait3A_50] : memref<40x128xi32, #tpu.memory_space<vmem>> -> memref<1x128xi32, #tpu.memory_space<vmem>>
      %dma_wait3A_52 = tpu.memref_squeeze %dma_wait3A_51 : memref<1x128xi32, #tpu.memory_space<vmem>> -> memref<128xi32, #tpu.memory_space<vmem>>
      %dma_wait3A_53 = arith.constant 0 : i32
      %dma_wait3A_54 = arith.constant 0 : i32
      %dma_wait3A_55 = tpu.memref_slice %arg2[%dma_wait3A_53, %dma_wait3A_54] : memref<10000x128xf32, #tpu.memory_space<hbm>> -> memref<10000x128xf32, #tpu.memory_space<hbm>>
      tpu.wait_indirect_dma semaphore(%arg12 : memref<!tpu.dma_semaphore, #tpu.memory_space<semaphore_mem>>) src(%dma_wait3A_55 : memref<10000x128xf32, #tpu.memory_space<hbm>>) dst(%arg9 : memref<128x128xf32, #tpu.memory_space<vmem>>)
      %run_scoped3A_56 = arith.constant 39 : i32
      "tpu.region"() ({
        %run_scoped3A_57 = tpu.sem_alloc : memref<!tpu.dma_semaphore, #tpu.memory_space<semaphore_mem>>
        %dma_start3A_58 = arith.constant 0 : i32
        %dma_start3A_59 = tpu.memref_slice %arg7[%run_scoped3A_56, %dma_start3A_58] : memref<40x128xi32, #tpu.memory_space<vmem>> -> memref<1x128xi32, #tpu.memory_space<vmem>>
        %dma_start3A_60 = tpu.memref_squeeze %dma_start3A_59 : memref<1x128xi32, #tpu.memory_space<vmem>> -> memref<128xi32, #tpu.memory_space<vmem>>
        %dma_start3A_61 = arith.constant 0 : i32
        %dma_start3A_62 = arith.constant 0 : i32
        %dma_start3A_63 = tpu.memref_slice %arg10[%dma_start3A_61, %dma_start3A_62] : memref<10128x128xf32, #tpu.memory_space<vmem_shared>> -> memref<10128x128xf32, #tpu.memory_space<vmem_shared>>
        tpu.enqueue_indirect_dma source(%arg9 : memref<128x128xf32, #tpu.memory_space<vmem>>) target(%dma_start3A_63 : memref<10128x128xf32, #tpu.memory_space<vmem_shared>>) offsets(%dma_start3A_60 : memref<128xi32, #tpu.memory_space<vmem>>) semaphore(%run_scoped3A_57 : memref<!tpu.dma_semaphore, #tpu.memory_space<semaphore_mem>>) {add = true}
        %dma_wait3A_64 = arith.constant 0 : i32
        %dma_wait3A_65 = tpu.memref_slice %arg7[%run_scoped3A_56, %dma_wait3A_64] : memref<40x128xi32, #tpu.memory_space<vmem>> -> memref<1x128xi32, #tpu.memory_space<vmem>>
        %dma_wait3A_66 = tpu.memref_squeeze %dma_wait3A_65 : memref<1x128xi32, #tpu.memory_space<vmem>> -> memref<128xi32, #tpu.memory_space<vmem>>
        %dma_wait3A_67 = arith.constant 0 : i32
        %dma_wait3A_68 = arith.constant 0 : i32
        %dma_wait3A_69 = tpu.memref_slice %arg10[%dma_wait3A_67, %dma_wait3A_68] : memref<10128x128xf32, #tpu.memory_space<vmem_shared>> -> memref<10128x128xf32, #tpu.memory_space<vmem_shared>>
        tpu.wait_indirect_dma semaphore(%run_scoped3A_57 : memref<!tpu.dma_semaphore, #tpu.memory_space<semaphore_mem>>) src(%arg9 : memref<128x128xf32, #tpu.memory_space<vmem>>) dst(%dma_wait3A_69 : memref<10128x128xf32, #tpu.memory_space<vmem_shared>>)
        tpu.yield
      }) : () -> ()
    }
    %scan3A_10 = arith.constant 2 : i32
    "tpu.trace_stop"() : () -> ()
    %barrier3A_11 = arith.constant 0 : index
    tpu.barrier barrier_id(%barrier3A_11)
    "tpu.trace_start"() <{level = 10 : i32, message = "agg_out"}> : () -> ()
    "tpu.region"() ({
      %run_scoped3A = tpu.sem_alloc : memref<!tpu.dma_semaphore, #tpu.memory_space<semaphore_mem>>
      %dma_start3A = arith.constant 0 : i32
      %dma_start3A_17 = tpu.memref_slice %arg5[%arg0, %mul3A_0, %dma_start3A] : memref<2x10000x128xf32, #tpu.memory_space<hbm>> -> memref<1x624x128xf32, #tpu.memory_space<hbm>>
      %dma_start3A_18 = tpu.memref_squeeze %dma_start3A_17 : memref<1x624x128xf32, #tpu.memory_space<hbm>> -> memref<624x128xf32, #tpu.memory_space<hbm>>
      %dma_start3A_19 = arith.constant 0 : i32
      %dma_start3A_20 = tpu.memref_slice %arg10[%mul3A_0, %dma_start3A_19] : memref<10128x128xf32, #tpu.memory_space<vmem_shared>> -> memref<624x128xf32, #tpu.memory_space<vmem_shared>>
      tpu.enqueue_dma source(%dma_start3A_20 : memref<624x128xf32, #tpu.memory_space<vmem_shared>>) target(%dma_start3A_18 : memref<624x128xf32, #tpu.memory_space<hbm>>) target_semaphore(%run_scoped3A : memref<!tpu.dma_semaphore, #tpu.memory_space<semaphore_mem>>)
      %dma_wait3A = arith.constant 0 : i32
      %dma_wait3A_21 = tpu.memref_slice %arg5[%arg0, %mul3A_0, %dma_wait3A] : memref<2x10000x128xf32, #tpu.memory_space<hbm>> -> memref<1x624x128xf32, #tpu.memory_space<hbm>>
      %dma_wait3A_22 = tpu.memref_squeeze %dma_wait3A_21 : memref<1x624x128xf32, #tpu.memory_space<hbm>> -> memref<624x128xf32, #tpu.memory_space<hbm>>
      %dma_wait3A_23 = arith.constant 0 : i32
      %dma_wait3A_24 = tpu.memref_slice %arg10[%mul3A_0, %dma_wait3A_23] : memref<10128x128xf32, #tpu.memory_space<vmem_shared>> -> memref<624x128xf32, #tpu.memory_space<vmem_shared>>
      tpu.wait_dma2 semaphore(%run_scoped3A : memref<!tpu.dma_semaphore, #tpu.memory_space<semaphore_mem>>) src(%dma_wait3A_24 : memref<624x128xf32, #tpu.memory_space<vmem_shared>>) dst(%dma_wait3A_22 : memref<624x128xf32, #tpu.memory_space<hbm>>)
      tpu.yield
    }) : () -> ()
    %eq3A_12 = arith.constant 15 : i32
    %eq3A_13 = arith.cmpi eq, %arg1, %eq3A_12 : i32
    %convert_element_type3A_14 = arith.extui %eq3A_13 : i1 to i32
    %cond3A_15 = arith.constant 0 : i32
    %cond3A_16 = arith.cmpi ne, %convert_element_type3A_14, %cond3A_15 : i32
    scf.if %cond3A_16 {
      "tpu.region"() ({
        %run_scoped3A = tpu.sem_alloc : memref<!tpu.dma_semaphore, #tpu.memory_space<semaphore_mem>>
        %dma_start3A = arith.constant 9984 : i32
        %dma_start3A_17 = arith.constant 0 : i32
        %dma_start3A_18 = tpu.memref_slice %arg5[%arg0, %dma_start3A, %dma_start3A_17] : memref<2x10000x128xf32, #tpu.memory_space<hbm>> -> memref<1x16x128xf32, #tpu.memory_space<hbm>>
        %dma_start3A_19 = tpu.memref_squeeze %dma_start3A_18 : memref<1x16x128xf32, #tpu.memory_space<hbm>> -> memref<16x128xf32, #tpu.memory_space<hbm>>
        %dma_start3A_20 = arith.constant 9984 : i32
        %dma_start3A_21 = arith.constant 0 : i32
        %dma_start3A_22 = tpu.memref_slice %arg10[%dma_start3A_20, %dma_start3A_21] : memref<10128x128xf32, #tpu.memory_space<vmem_shared>> -> memref<16x128xf32, #tpu.memory_space<vmem_shared>>
        tpu.enqueue_dma source(%dma_start3A_22 : memref<16x128xf32, #tpu.memory_space<vmem_shared>>) target(%dma_start3A_19 : memref<16x128xf32, #tpu.memory_space<hbm>>) target_semaphore(%run_scoped3A : memref<!tpu.dma_semaphore, #tpu.memory_space<semaphore_mem>>)
        %dma_wait3A = arith.constant 9984 : i32
        %dma_wait3A_23 = arith.constant 0 : i32
        %dma_wait3A_24 = tpu.memref_slice %arg5[%arg0, %dma_wait3A, %dma_wait3A_23] : memref<2x10000x128xf32, #tpu.memory_space<hbm>> -> memref<1x16x128xf32, #tpu.memory_space<hbm>>
        %dma_wait3A_25 = tpu.memref_squeeze %dma_wait3A_24 : memref<1x16x128xf32, #tpu.memory_space<hbm>> -> memref<16x128xf32, #tpu.memory_space<hbm>>
        %dma_wait3A_26 = arith.constant 9984 : i32
        %dma_wait3A_27 = arith.constant 0 : i32
        %dma_wait3A_28 = tpu.memref_slice %arg10[%dma_wait3A_26, %dma_wait3A_27] : memref<10128x128xf32, #tpu.memory_space<vmem_shared>> -> memref<16x128xf32, #tpu.memory_space<vmem_shared>>
        tpu.wait_dma2 semaphore(%run_scoped3A : memref<!tpu.dma_semaphore, #tpu.memory_space<semaphore_mem>>) src(%dma_wait3A_28 : memref<16x128xf32, #tpu.memory_space<vmem_shared>>) dst(%dma_wait3A_25 : memref<16x128xf32, #tpu.memory_space<hbm>>)
        tpu.yield
      }) : () -> ()
    } else {
    }
    "tpu.trace_stop"() : () -> ()
    return
  }
}

module attributes {stable_mosaic.version = 14 : i64} {
  func.func @_mlp_block(%arg0: i32, %arg1: memref<2x1000x128xf32, #tpu.memory_space<vmem>>, %arg2: memref<1000x128xf32, #tpu.memory_space<vmem>>, %arg3: memref<128x128xf32, #tpu.memory_space<vmem>>, %arg4: memref<1x128xf32, #tpu.memory_space<vmem>>, %arg5: memref<128x128xf32, #tpu.memory_space<vmem>>, %arg6: memref<1x128xf32, #tpu.memory_space<vmem>>, %arg7: memref<1000x128xf32, #tpu.memory_space<vmem>>) attributes {dimension_semantics = [#tpu.dimension_semantics<arbitrary>], iteration_bounds = array<i64: 10>, scalar_prefetch = 0 : i64, scratch_operands = 0 : i64, tpu.core_type = #tpu.core_type<tc>, window_params = [{transform_indices = @transform_0, window_bounds = array<i64: 2, 1000, 128>}, {transform_indices = @transform_1, window_bounds = array<i64: 1000, 128>}, {pipeline_mode = #tpu.pipeline_mode<synchronous>, transform_indices = @transform_2, window_bounds = array<i64: 128, 128>}, {pipeline_mode = #tpu.pipeline_mode<synchronous>, transform_indices = @transform_3, window_bounds = array<i64: 1, 128>}, {pipeline_mode = #tpu.pipeline_mode<synchronous>, transform_indices = @transform_4, window_bounds = array<i64: 128, 128>}, {pipeline_mode = #tpu.pipeline_mode<synchronous>, transform_indices = @transform_5, window_bounds = array<i64: 1, 128>}, {transform_indices = @transform_6, window_bounds = array<i64: 1000, 128>}]} {
    %get3A = arith.constant 0 : index
    %get3A_0 = arith.constant 0 : index
    %get3A_1 = arith.constant 0 : index
    %get3A_2 = vector.load %arg1[%get3A, %get3A_0, %get3A_1] : memref<2x1000x128xf32, #tpu.memory_space<vmem>>, vector<2x1000x128xf32>
    %slice3A = vector.extract_strided_slice %get3A_2 {offsets = [0, 0, 0], sizes = [1, 1000, 128], strides = [1, 1, 1]} : vector<2x1000x128xf32> to vector<1x1000x128xf32>
    %squeeze3A = vector.shape_cast %slice3A : vector<1x1000x128xf32> to vector<1000x128xf32>
    %slice3A_3 = vector.extract_strided_slice %get3A_2 {offsets = [1, 0, 0], sizes = [1, 1000, 128], strides = [1, 1, 1]} : vector<2x1000x128xf32> to vector<1x1000x128xf32>
    %squeeze3A_4 = vector.shape_cast %slice3A_3 : vector<1x1000x128xf32> to vector<1000x128xf32>
    %add3A = arith.addf %squeeze3A, %squeeze3A_4 : vector<1000x128xf32>
    %get3A_5 = arith.constant 0 : index
    %get3A_6 = arith.constant 0 : index
    %get3A_7 = vector.load %arg2[%get3A_5, %get3A_6] : memref<1000x128xf32, #tpu.memory_space<vmem>>, vector<1000x128xf32>
    %sub3A = arith.subf %add3A, %get3A_7 : vector<1000x128xf32>
    %get3A_8 = arith.constant 0 : index
    %get3A_9 = arith.constant 0 : index
    %get3A_10 = vector.load %arg3[%get3A_8, %get3A_9] : memref<128x128xf32, #tpu.memory_space<vmem>>, vector<128x128xf32>
    %dot_general3A = arith.constant dense<0.000000e+00> : vector<1000x128xf32>
    %dot_general3A_11 = tpu.matmul %sub3A, %get3A_10, %dot_general3A {dimension_numbers = #tpu.dot_dimension_numbers<[1], [0], [0], [1], [0, 0, 1, 1], [], []>, transpose_lhs_hint = false} : vector<1000x128xf32>, vector<128x128xf32>, vector<1000x128xf32> -> vector<1000x128xf32>
    %get3A_12 = arith.constant 0 : index
    %get3A_13 = arith.constant 0 : index
    %get3A_14 = vector.load %arg4[%get3A_12, %get3A_13] : memref<1x128xf32, #tpu.memory_space<vmem>>, vector<1x128xf32>
    %add3A_15 = vector.broadcast %get3A_14 : vector<1x128xf32> to vector<1000x128xf32>
    %add3A_16 = arith.addf %dot_general3A_11, %add3A_15 : vector<1000x128xf32>
    %max3A = arith.constant 0.000000e+00 : f32
    %max3A_17 = vector.broadcast %max3A : f32 to vector<1000x128xf32>
    %max3A_18 = arith.maximumf %add3A_16, %max3A_17 : vector<1000x128xf32>
    %get3A_19 = arith.constant 0 : index
    %get3A_20 = arith.constant 0 : index
    %get3A_21 = vector.load %arg5[%get3A_19, %get3A_20] : memref<128x128xf32, #tpu.memory_space<vmem>>, vector<128x128xf32>
    %dot_general3A_22 = arith.constant dense<0.000000e+00> : vector<1000x128xf32>
    %dot_general3A_23 = tpu.matmul %max3A_18, %get3A_21, %dot_general3A_22 {dimension_numbers = #tpu.dot_dimension_numbers<[1], [0], [0], [1], [0, 0, 1, 1], [], []>, transpose_lhs_hint = false} : vector<1000x128xf32>, vector<128x128xf32>, vector<1000x128xf32> -> vector<1000x128xf32>
    %get3A_24 = arith.constant 0 : index
    %get3A_25 = arith.constant 0 : index
    %get3A_26 = vector.load %arg6[%get3A_24, %get3A_25] : memref<1x128xf32, #tpu.memory_space<vmem>>, vector<1x128xf32>
    %add3A_27 = vector.broadcast %get3A_26 : vector<1x128xf32> to vector<1000x128xf32>
    %add3A_28 = arith.addf %dot_general3A_23, %add3A_27 : vector<1000x128xf32>
    %max3A_29 = arith.constant 0.000000e+00 : f32
    %max3A_30 = vector.broadcast %max3A_29 : f32 to vector<1000x128xf32>
    %max3A_31 = arith.maximumf %add3A_28, %max3A_30 : vector<1000x128xf32>
    %swap3A = arith.constant 0 : index
    %swap3A_32 = arith.constant 0 : index
    %swap3A_33 = vector.load %arg7[%swap3A, %swap3A_32] : memref<1000x128xf32, #tpu.memory_space<vmem>>, vector<1000x128xf32>
    tpu.vector_store %arg7[%swap3A, %swap3A_32], %max3A_31 {strides = array<i32>} : memref<1000x128xf32, #tpu.memory_space<vmem>>, vector<1000x128xf32>,
    return
  }
  func.func @transform_0(%arg0: i32) -> (i32, i32, i32) {
    %c0_i32 = arith.constant 0 : i32
    %c0_i32_0 = arith.constant 0 : i32
    %c0_i32_1 = arith.constant 0 : i32
    return %c0_i32, %arg0, %c0_i32_0 : i32, i32, i32
  }
  func.func @transform_1(%arg0: i32) -> (i32, i32) {
    %c0_i32 = arith.constant 0 : i32
    %c0_i32_0 = arith.constant 0 : i32
    return %arg0, %c0_i32 : i32, i32
  }
  func.func @transform_2(%arg0: i32) -> (i32, i32) {
    %c0_i32 = arith.constant 0 : i32
    %c0_i32_0 = arith.constant 0 : i32
    %c0_i32_1 = arith.constant 0 : i32
    return %c0_i32, %c0_i32_0 : i32, i32
  }
  func.func @transform_3(%arg0: i32) -> (i32, i32) {
    %c0_i32 = arith.constant 0 : i32
    %c0_i32_0 = arith.constant 0 : i32
    %c0_i32_1 = arith.constant 0 : i32
    return %c0_i32, %c0_i32_0 : i32, i32
  }
  func.func @transform_4(%arg0: i32) -> (i32, i32) {
    %c0_i32 = arith.constant 0 : i32
    %c0_i32_0 = arith.constant 0 : i32
    %c0_i32_1 = arith.constant 0 : i32
    return %c0_i32, %c0_i32_0 : i32, i32
  }
  func.func @transform_5(%arg0: i32) -> (i32, i32) {
    %c0_i32 = arith.constant 0 : i32
    %c0_i32_0 = arith.constant 0 : i32
    %c0_i32_1 = arith.constant 0 : i32
    return %c0_i32, %c0_i32_0 : i32, i32
  }
  func.func @transform_6(%arg0: i32) -> (i32, i32) {
    %c0_i32 = arith.constant 0 : i32
    %c0_i32_0 = arith.constant 0 : i32
    return %arg0, %c0_i32 : i32, i32
  }
}

module attributes {stable_mosaic.version = 14 : i64} {
  func.func @_mlp_block(%arg0: i32, %arg1: memref<2x1000x128xf32, #tpu.memory_space<vmem>>, %arg2: memref<1000x128xf32, #tpu.memory_space<vmem>>, %arg3: memref<128x128xf32, #tpu.memory_space<vmem>>, %arg4: memref<1x128xf32, #tpu.memory_space<vmem>>, %arg5: memref<128x128xf32, #tpu.memory_space<vmem>>, %arg6: memref<1x128xf32, #tpu.memory_space<vmem>>, %arg7: memref<1000x128xf32, #tpu.memory_space<vmem>>) attributes {dimension_semantics = [#tpu.dimension_semantics<arbitrary>], iteration_bounds = array<i64: 10>, scalar_prefetch = 0 : i64, scratch_operands = 0 : i64, tpu.core_type = #tpu.core_type<tc>, window_params = [{transform_indices = @transform_0, window_bounds = array<i64: 2, 1000, 128>}, {transform_indices = @transform_1, window_bounds = array<i64: 1000, 128>}, {pipeline_mode = #tpu.pipeline_mode<synchronous>, transform_indices = @transform_2, window_bounds = array<i64: 128, 128>}, {pipeline_mode = #tpu.pipeline_mode<synchronous>, transform_indices = @transform_3, window_bounds = array<i64: 1, 128>}, {pipeline_mode = #tpu.pipeline_mode<synchronous>, transform_indices = @transform_4, window_bounds = array<i64: 128, 128>}, {pipeline_mode = #tpu.pipeline_mode<synchronous>, transform_indices = @transform_5, window_bounds = array<i64: 1, 128>}, {transform_indices = @transform_6, window_bounds = array<i64: 1000, 128>}]} {
    %get3A = arith.constant 0 : index
    %get3A_0 = arith.constant 0 : index
    %get3A_1 = arith.constant 0 : index
    %get3A_2 = vector.load %arg1[%get3A, %get3A_0, %get3A_1] : memref<2x1000x128xf32, #tpu.memory_space<vmem>>, vector<2x1000x128xf32>
    %slice3A = vector.extract_strided_slice %get3A_2 {offsets = [0, 0, 0], sizes = [1, 1000, 128], strides = [1, 1, 1]} : vector<2x1000x128xf32> to vector<1x1000x128xf32>
    %squeeze3A = vector.shape_cast %slice3A : vector<1x1000x128xf32> to vector<1000x128xf32>
    %slice3A_3 = vector.extract_strided_slice %get3A_2 {offsets = [1, 0, 0], sizes = [1, 1000, 128], strides = [1, 1, 1]} : vector<2x1000x128xf32> to vector<1x1000x128xf32>
    %squeeze3A_4 = vector.shape_cast %slice3A_3 : vector<1x1000x128xf32> to vector<1000x128xf32>
    %add3A = arith.addf %squeeze3A, %squeeze3A_4 : vector<1000x128xf32>
    %get3A_5 = arith.constant 0 : index
    %get3A_6 = arith.constant 0 : index
    %get3A_7 = vector.load %arg2[%get3A_5, %get3A_6] : memref<1000x128xf32, #tpu.memory_space<vmem>>, vector<1000x128xf32>
    %sub3A = arith.subf %add3A, %get3A_7 : vector<1000x128xf32>
    %get3A_8 = arith.constant 0 : index
    %get3A_9 = arith.constant 0 : index
    %get3A_10 = vector.load %arg3[%get3A_8, %get3A_9] : memref<128x128xf32, #tpu.memory_space<vmem>>, vector<128x128xf32>
    %dot_general3A = arith.constant dense<0.000000e+00> : vector<1000x128xf32>
    %dot_general3A_11 = tpu.matmul %sub3A, %get3A_10, %dot_general3A {dimension_numbers = #tpu.dot_dimension_numbers<[1], [0], [0], [1], [0, 0, 1, 1], [], []>, transpose_lhs_hint = false} : vector<1000x128xf32>, vector<128x128xf32>, vector<1000x128xf32> -> vector<1000x128xf32>
    %get3A_12 = arith.constant 0 : index
    %get3A_13 = arith.constant 0 : index
    %get3A_14 = vector.load %arg4[%get3A_12, %get3A_13] : memref<1x128xf32, #tpu.memory_space<vmem>>, vector<1x128xf32>
    %add3A_15 = vector.broadcast %get3A_14 : vector<1x128xf32> to vector<1000x128xf32>
    %add3A_16 = arith.addf %dot_general3A_11, %add3A_15 : vector<1000x128xf32>
    %max3A = arith.constant 0.000000e+00 : f32
    %max3A_17 = vector.broadcast %max3A : f32 to vector<1000x128xf32>
    %max3A_18 = arith.maximumf %add3A_16, %max3A_17 : vector<1000x128xf32>
    %get3A_19 = arith.constant 0 : index
    %get3A_20 = arith.constant 0 : index
    %get3A_21 = vector.load %arg5[%get3A_19, %get3A_20] : memref<128x128xf32, #tpu.memory_space<vmem>>, vector<128x128xf32>
    %dot_general3A_22 = arith.constant dense<0.000000e+00> : vector<1000x128xf32>
    %dot_general3A_23 = tpu.matmul %max3A_18, %get3A_21, %dot_general3A_22 {dimension_numbers = #tpu.dot_dimension_numbers<[1], [0], [0], [1], [0, 0, 1, 1], [], []>, transpose_lhs_hint = false} : vector<1000x128xf32>, vector<128x128xf32>, vector<1000x128xf32> -> vector<1000x128xf32>
    %get3A_24 = arith.constant 0 : index
    %get3A_25 = arith.constant 0 : index
    %get3A_26 = vector.load %arg6[%get3A_24, %get3A_25] : memref<1x128xf32, #tpu.memory_space<vmem>>, vector<1x128xf32>
    %add3A_27 = vector.broadcast %get3A_26 : vector<1x128xf32> to vector<1000x128xf32>
    %add3A_28 = arith.addf %dot_general3A_23, %add3A_27 : vector<1000x128xf32>
    %swap3A = arith.constant 0 : index
    %swap3A_29 = arith.constant 0 : index
    %swap3A_30 = vector.load %arg7[%swap3A, %swap3A_29] : memref<1000x128xf32, #tpu.memory_space<vmem>>, vector<1000x128xf32>
    tpu.vector_store %arg7[%swap3A, %swap3A_29], %add3A_28 {strides = array<i32>} : memref<1000x128xf32, #tpu.memory_space<vmem>>, vector<1000x128xf32>,
    return
  }
  func.func @transform_0(%arg0: i32) -> (i32, i32, i32) {
    %c0_i32 = arith.constant 0 : i32
    %c0_i32_0 = arith.constant 0 : i32
    %c0_i32_1 = arith.constant 0 : i32
    return %c0_i32, %arg0, %c0_i32_0 : i32, i32, i32
  }
  func.func @transform_1(%arg0: i32) -> (i32, i32) {
    %c0_i32 = arith.constant 0 : i32
    %c0_i32_0 = arith.constant 0 : i32
    return %arg0, %c0_i32 : i32, i32
  }
  func.func @transform_2(%arg0: i32) -> (i32, i32) {
    %c0_i32 = arith.constant 0 : i32
    %c0_i32_0 = arith.constant 0 : i32
    %c0_i32_1 = arith.constant 0 : i32
    return %c0_i32, %c0_i32_0 : i32, i32
  }
  func.func @transform_3(%arg0: i32) -> (i32, i32) {
    %c0_i32 = arith.constant 0 : i32
    %c0_i32_0 = arith.constant 0 : i32
    %c0_i32_1 = arith.constant 0 : i32
    return %c0_i32, %c0_i32_0 : i32, i32
  }
  func.func @transform_4(%arg0: i32) -> (i32, i32) {
    %c0_i32 = arith.constant 0 : i32
    %c0_i32_0 = arith.constant 0 : i32
    %c0_i32_1 = arith.constant 0 : i32
    return %c0_i32, %c0_i32_0 : i32, i32
  }
  func.func @transform_5(%arg0: i32) -> (i32, i32) {
    %c0_i32 = arith.constant 0 : i32
    %c0_i32_0 = arith.constant 0 : i32
    %c0_i32_1 = arith.constant 0 : i32
    return %c0_i32, %c0_i32_0 : i32, i32
  }
  func.func @transform_6(%arg0: i32) -> (i32, i32) {
    %c0_i32 = arith.constant 0 : i32
    %c0_i32_0 = arith.constant 0 : i32
    return %arg0, %c0_i32 : i32, i32
  }
}

</mosaic_0001>

<sc_bundles>
// kernel: kernel.6.cloned.1.call-start
scs
__scs_entry_jumppad:
0x0: {  	(pc) =	sbr.rel $0x88, $3  }
0x1: {  	(tag) =	ssettag $0x0;
	lr =	simm.s32 $0x1  }
0x2: {  	[smem:$0x3F97] =	sst lr;
	_ =	strace $0xD0000000  }
0x3: {  	_ = 	snop  }
0x4: {  	_ = 	snop  }
0x5: {  	_ = 	snop  }
0x6: {  	_ = 	snop  }
0x7: {  	_ = 	snop  }
__scs_overlays_trampoline_lowered:
0x8: {  	[smem:$0x3FA6] =	sst s0  }
0x9: {  	[smem:$0x3FA7] =	sst s1  }
0xa: {  	[smem:$0x3FA8] =	sst s2  }
0xb: {  	[smem:$0x3FA9] =	sst s3  }
0xc: {  	[smem:$0x3FAA] =	sst s4  }
0xd: {  	[smem:$0x3FAB] =	sst s5  }
0xe: {  	[smem:$0x3FAC] =	sst s6  }
0xf: {  	[smem:$0x3FAD] =	sst s7  }
0x10: {  	[smem:$0x3FAE] =	sst s8  }
0x11: {  	[smem:$0x3FAF] =	sst s9;
	s0 =	simm.s32 @!p0 $0x0  }
0x12: {  	s1 =	sld [smem:$0x3F95];
	s0 =	simm.s32 @p0 $0x1  }
0x13: {  	[smem:$0x3FB0] =	sst s0;
	s0 =	simm.s32 @!p1 $0x0  }
0x14: {  	s2 =	sld [smem:$0x3F94];
	s0 =	simm.s32 @p1 $0x1  }
0x15: {  	[smem:$0x3FB1] =	sst s0;
	s0 =	simm.s32 @!p2 $0x0  }
0x16: {  	s3 =	sld [smem:$0x3FDB];
	s0 =	simm.s32 @p2 $0x1  }
0x17: {  	s4 =	simm.s32 $0x1BF5;
	[smem:$0x3FB3] =	sst s0  }
0x18: {  	s0 =	sld [smem:$0x3F96];
	_ =	swait.ge [sflag:s4], $0x0  }
0x19: {  	s7 =	sld [smem:$0x3F97]  }
0x1a: {  	s8 =	sadd.s32 $0xFFFFE003, lr  }
0x1b: {  	s9 =	sadd.s32 $0xFFFFFEF7, lr;
	s5 =	simm.s32 $0xFFFFFFFF;
	p2 =	slt.u32 s8, $0xFFFFF086  }
0x1c: {  	p1 =	slt.u32 s9, $0xF7A;
	s5 =	simm.s32 @!p2 $0x0  }
0x1d: {  	s5 =	simm.s32 @p1 $0x1;
	p0 =	seq.s32 s7, s2  }
0x1e: {  	s7 =	smul.u32 @!p0 $0xF7A, s2;
	p2 =	seq.s32 @!p0 s5, $0x0  }
0x1f: {  	s9 =	smul.u32 $0xF7A, s1;
	s8 =	simm.s32 @!p0 $0x1BF5;
	p2 =	por !p2, p0  }
0x20: {  	[sflag:s8] =	ssyncset.s32 @!p0 $0xFFFFF086;
	s6 =	sadd.s32 @!p0 s3, s7;
	s7 =	simm.s32 @!p0 $0x108  }
0x21: {  	s3 =	sadd.s32 s3, s9;
	s6 =	sadd.s32 @!p0 $0x88, s6;
	s7 =	simm.s32 @p2 $0x1082  }
0x22: {  	[simem:s7], [sflag:s8] =	dma.local @!p0 [hbm:s6], $0xF7A  }
0x23: {  	s9 =	sor.u32 $0xD0000000, s2;
	s6 =	simm.s32 $0x108;
	_ =	swait.ge @!p0 [sflag:s8], $0x0  }
0x24: {  	s3 =	sadd.s32 $0x88, s3;
	s6 =	simm.s32 @!p1 $0x1082;
	[sflag:s4] =	ssyncset.s32 $0xFFFFF086  }
0x25: {  	[simem:s6], [sflag:s4] =	dma.local [hbm:s3], $0xF7A  }
0x26: {  	[smem:$0x3F97] =	sst s1;
	(tag) =	ssettag s2;
	_ =	strace s9  }
0x27: {  	s1 =	sld [smem:$0x3FA7]  }
0x28: {  	s2 =	sld [smem:$0x3FA8]  }
0x29: {  	s4 =	sld [smem:$0x3FAA]  }
0x2a: {  	p0 =	seq.s32 s5, $0x0;
	s5 =	sld [smem:$0x3FAB]  }
0x2b: {  	s6 =	sld [smem:$0x3FAC]  }
0x2c: {  	s7 =	sld [smem:$0x3FAD]  }
0x2d: {  	s3 =	simm.s32 $0x108;
	s8 =	sld [smem:$0x3FAE]  }
0x2e: {  	s3 =	simm.s32 @!p0 $0x1082;
	s9 =	sld [smem:$0x3FAF]  }
0x2f: {  	lr =	sadd.s32 s0, s3;
	s0 =	sld [smem:$0x3FA6]  }
0x30: {  	s3 =	sld [smem:$0x3FA9]  }
0x31: {  	[smem:$0x3FB2] =	sst s10  }
0x32: {  	s10 =	sld [smem:$0x3FB0];
	_ =	sdelay $0x3  }
0x33: {  	p0 =	seq.s32 s10, $0x1;
	s10 =	sld [smem:$0x3FB2];
	_ =	sdelay $0x3  }
0x34: {  	[smem:$0x3FB2] =	sst s10  }
0x35: {  	s10 =	sld [smem:$0x3FB1];
	_ =	sdelay $0x3  }
0x36: {  	p1 =	seq.s32 s10, $0x1;
	s10 =	sld [smem:$0x3FB2];
	_ =	sdelay $0x3  }
0x37: {  	[smem:$0x3FB2] =	sst s10  }
0x38: {  	s10 =	sld [smem:$0x3FB3]  }
0x39: {  	_ = 	snop;
	(pc) =	sbr.ind lr, $3  }
0x3a: {  	_ = 	snop  }
0x3b: {  	_ = 	snop  }
0x3c: {  	p2 =	seq.s32 s10, $0x1;
	s10 =	sld [smem:$0x3FB2]  }
0x3d: {  	_ =	shalt  }
0x3e: {  	_ =	shalt  }
0x3f: {  	_ =	shalt  }
0x40: {  	_ =	shalt  }
0x41: {  	_ =	shalt  }
0x42: {  	_ =	shalt  }
0x43: {  	_ =	shalt  }
0x44: {  	_ =	shalt  }
0x45: {  	_ =	shalt  }
0x46: {  	_ =	shalt  }
0x47: {  	_ =	shalt  }
0x48: {  	_ =	shalt  }
0x49: {  	_ =	shalt  }
0x4a: {  	_ =	shalt  }
0x4b: {  	_ =	shalt  }
0x4c: {  	_ =	shalt  }
0x4d: {  	_ =	shalt  }
0x4e: {  	_ =	shalt  }
0x4f: {  	_ =	shalt  }
0x50: {  	_ =	shalt  }
0x51: {  	_ =	shalt  }
0x52: {  	_ =	shalt  }
0x53: {  	_ =	shalt  }
0x54: {  	_ =	shalt  }
0x55: {  	_ =	shalt  }
0x56: {  	_ =	shalt  }
0x57: {  	_ =	shalt  }
0x58: {  	_ =	shalt  }
0x59: {  	_ =	shalt  }
0x5a: {  	_ =	shalt  }
0x5b: {  	_ =	shalt  }
0x5c: {  	_ =	shalt  }
0x5d: {  	_ =	shalt  }
0x5e: {  	_ =	shalt  }
0x5f: {  	_ =	shalt  }
0x60: {  	_ =	shalt  }
0x61: {  	_ =	shalt  }
0x62: {  	_ =	shalt  }
0x63: {  	_ =	shalt  }
0x64: {  	_ =	shalt  }
0x65: {  	_ =	shalt  }
0x66: {  	_ =	shalt  }
0x67: {  	_ =	shalt  }
0x68: {  	_ =	shalt  }
0x69: {  	_ =	shalt  }
0x6a: {  	_ =	shalt  }
0x6b: {  	_ =	shalt  }
0x6c: {  	_ =	shalt  }
0x6d: {  	_ =	shalt  }
0x6e: {  	_ =	shalt  }
0x6f: {  	_ =	shalt  }
0x70: {  	_ =	shalt  }
0x71: {  	_ =	shalt  }
0x72: {  	_ =	shalt  }
0x73: {  	_ =	shalt  }
0x74: {  	_ =	shalt  }
0x75: {  	_ =	shalt  }
0x76: {  	_ =	shalt  }
0x77: {  	_ =	shalt  }
0x78: {  	_ =	shalt  }
0x79: {  	_ =	shalt  }
0x7a: {  	_ =	shalt  }
0x7b: {  	_ =	shalt  }
0x7c: {  	_ =	shalt  }
0x7d: {  	_ =	shalt  }
0x7e: {  	_ =	shalt  }
0x7f: {  	_ =	shalt  }
0x80: {  	_ =	shalt  }
0x81: {  	_ =	shalt  }
0x82: {  	_ =	shalt  }
0x83: {  	_ =	shalt  }
0x84: {  	_ =	shalt  }
0x85: {  	_ =	shalt  }
0x86: {  	_ =	shalt  }
0x87: {  	_ =	shalt  }
.Lfunc_end0:
.L_simem_size_0:
called_computation_lowered:
.L_overlay_start_0:
0x88: {  	s2 =	sld [smem:$0x3FD9]  }
0x89: {  	s3 =	sld [smem:$0x3FFE];
	_ =	sdelay $0x1  }
0x8a: {  	s1 =	srdreg.scid  }
0x8b: {  	s0 =	sand.u32 $0x1, s1  }
0x8c: {  	s17 =	sshll.u32 s0, $0xA;
	s2 =	sadd.s32 s3, s2  }
0x8d: {  	s2 =	sadd.s32 s2, s17  }
0x8e: {  	[smem:$0x3FBE] =	sst s2  }
0x8f: {  	_ = 	snop  }
0x90: {  	s2 =	sld [smem:$0x3FC9];
	(tm) =	ssettm $0x1  }
0x91: {  	s18 =	sld [smem:$0x3FFB];
	_ =	sdelay $0x3  }
0x92: {  	_ =	strace s18  }
0x93: {  	s3 =	sld [smem:$0x3FFC];
	_ =	sdelay $0x3  }
0x94: {  	_ =	strace s3  }
0x95: {  	s3 =	sld [smem:$0x3FFD];
	_ =	sdelay $0x3  }
0x96: {  	_ =	strace s3  }
0x97: {  	_ =	strace $0x8FFFFFFF  }
0x98: {  	s19 =	sld [smem:$0x3FDB];
	_ =	sdelay $0x1  }
0x99: {  	s4 =	simm.s32 $_scs_section_size  }
0x9a: {  	s5 =	simm.s32 $_size__tile_overlayer_lowered;
	s6 =	simm.s32 $_tile_overlayer_lowered  }
0x9b: {  	s22 =	simm.s32 $0x1BFF;
	s21 =	sshll.u32 s6, $0x1;
	s3 =	sadd.s32 s4, s19  }
0x9c: {  	s7 =	simm.s32 $0x0;
	s20 =	sshll.u32 s5, $0x1;
	s5 =	sadd.s32 s21, s3  }
0x9d: {  	[timem:s7], [sflag:s22] =	dma.local [hbm:s5], s20  }
0x9e: {  	_ =	swait.ge [sflag:s22], s20  }
0x9f: {  	s4 =	ssub.s32 $0x0, s20;
	[sflag:s22] =	ssyncset.done $0x0  }
0xa0: {  	[sflag:s22] =	ssyncadd.s32 s4;
	_ =	sdelay $0x1  }
0xa1: {  	s23 =	simm.s32 $0x1B8B  }
0xa2: {  	_ =	swait.ge [sflag:s23], $0x1  }
0xa3: {  	[sflag:s23] =	ssyncset.done $0x0  }
0xa4: {  	s25 =	simm.s32 $0x1B8E;
	s24 =	sld [smem:$0x3FFE];
	[sflag:s23] =	ssyncadd.s32 $0xFFFFFFFF  }
0xa5: {  	s26 =	simm.s32 $execute0_lowered;
	[smem:$0x3FD2] =	sst s25  }
0xa6: {  	s5 =	sshll.u32 s26, $0x1;
	_ =	strace $0x80000046;
	[dreg:$0x1] =	wrdreg $0xFFFFFFFF  }
0xa7: {  	s28 =	simm.s32 $_size_execute0_lowered;
	s3 =	sadd.s32 s3, s5;
	[dreg:$0x0] =	wrdreg $0x0  }
0xa8: {  	s5 =	sshll.u32 s28, $0x1;
	[dreg:$0x2] =	wrdreg s3  }
0xa9: {  	[dreg:$0x3] =	wrdreg s5  }
0xaa: {  	[dreg:$0x4] =	wrdreg $0xC0  }
0xab: {  	_ =	task [dreg:s7], $0x5FFFF  }
0xac: {  	[dreg:$0x1] =	wrdreg $0xFFFFFFFF  }
0xad: {  	[dreg:$0x0] =	wrdreg $0x60  }
0xae: {  	[dreg:$0x2] =	wrdreg s2  }
0xaf: {  	[dreg:$0x3] =	wrdreg s24  }
0xb0: {  	[dreg:$0x4] =	wrdreg $0xA8000  }
0xb1: {  	[dreg:$0x5] =	wrdreg $0x9  }
0xb2: {  	_ =	task.clear_ibuf [dreg:s7], $0x6FFFF;
	_ =	strace $0x90000046  }
0xb3: {  	s29 =	simm.s32 $0x9;
	_ =	strace $0x8000004B  }
0xb4: {  	_ =	swait.ge [sflag:s29], $0x1  }
0xb5: {  	[sflag:s29] =	ssyncadd.s32 $0xFFFFFFFF  }
0xb6: {  	_ =	strace $0x9000004B  }
0xb7: {  	_ =	sfence  }
0xb8: {  	s30 =	sld [smem:$0x0];
	_ =	sdelay $0x2  }
0xb9: {  	s31 =	sshll.u32 s1, $0xD;
	s1 =	sshrl.u32 s1, $0x2  }
0xba: {  	s3 =	sand.u32 $0x4000, s31;
	s1 =	sadd.s32 s1, s30  }
0xbb: {  	s0 =	sor.u32 s3, s0;
	s1 =	sshll.u32 s1, $0x11  }
0xbc: {  	s0 =	sor.u32 s1, s0  }
0xbd: {  	s0 =	sadd.s32 $0x8F2B, s0  }
0xbe: {  	[sflag:s0] =	ssyncadd.remote.s32 $0x1  }
0xbf: {  	_ =	sfence.sel $0xFFFF  }
0xc0: {  	[dreg:$0x0] =	wrdreg $0xFFFFFFFF;
	(pc) =	sbr.abs _section_cstart, $3  }
0xc1: {  	[dreg:$0x1] =	wrdreg $0xFFFFFFFF  }
0xc2: {  	_ =	task.clear_ibuf [dreg:s7], $0x2FFFF;
	_ =	strace $0x9FFFFFFF  }
0xc3: {  	(tm) =	ssettm $0x7FFFFFFF  }
tec
execute0_lowered:
.L_overlay_start_1:
0x0: {  	(tag) =	ssettag $0x1  }
0x1: {  	s1 =	rddreg [dreg:$0x0]  }
0x2: {  	s5 =	rddreg [dreg:$0x1]  }
0x3: {  	s2 =	rddreg [dreg:$0x2]  }
0x4: {  	s0 =	rddreg [dreg:$0x3]  }
0x5: {  	s4 =	simm.s32 $0x0;
	s6 =	srdreg.scid;
	s3 =	stileid.u32  }
0x6: {  	s18 =	simm.s32 $0x1400;
	s19 =	simm.s32 $0x80;
	s20 =	simm.s32 $0x2800  }
0x7: {  	s21 =	simm.s32 $0x6800;
	s22 =	simm.s32 $0x1;
	s23 =	simm.s32 $0x2  }
0x8: {  	s24 =	simm.s32 $0x2700;
	[smem:$0x7FF] =	sst s4;
	s6 =	sand.u32 $0x1, s6  }
0x9: {  	s12 =	sadd.s32 $0x2200, s5;
	s8 =	smul.u32 $0x4E000, s3;
	s13 =	sadd.s32 $0xC200, s5  }
0xa: {  	s10 =	smul.u32 $0x13800, s3;
	s11 =	sadd.s32 $0x16200, s5;
	s17 =	sadd.s32 $0x138000, s2  }
0xb: {  	s31 =	sshll.u32 s3, $0x6;
	p0 =	sne.s32 s3, $0xF;
	_ =	strace $0x80000047  }
0xc: {  	s7 =	ssub.s32 $0x2, s6;
	s28 =	smul.u32 $0x138800, s6;
	s6 =	sshll.u32 s6, $0x4  }
0xd: {  	s17 =	sshrl.u32 @!p0 s17, $0x3;
	s9 =	sshrl.u32 s7, $0x1;
	s25 =	sshrl.u32 s8, $0x2  }
0xe: {  	s26 =	sshrl.u32 s10, $0x3;
	s6 =	sor.u32 s3, s6;
	s9 =	ssub.s32 s7, s9  }
0xf: {  	s15 =	sadd.s32 s25, s2;
	s5 =	sadd.s32 s1, s26;
	s29 =	sadd.s32 s10, s28  }
0x10: {  	s7 =	sshrl.u32 s28, $0x3;
	s14 =	smul.u32 $0x500, s6;
	s6 =	sadd.s32 $0x27000, s1  }
0x11: {  	s25 =	simm.s32 $0x2780;
	s26 =	simm.s32 $0x0;
	s8 =	sshrl.u32 s29, $0x3  }
0x12: {  	s30 =	sadd.s32 s11, s7;
	s9 =	smax.u32 s9, $0x1;
	s15 =	sshrl.u32 s15, $0x3  }
0x13: {  	s7 =	sadd.s32 s11, s8;
	s8 =	sadd.s32 $0x27000, s30;
	s10 =	sadd.s32 s12, s14  }
0x14: {  	s16 =	sadd.s32 $0x280, s14;
	s11 =	sadd.s32 s13, s14;
	s14 =	sor.u32 $0x1C03, s31  }
0x15: {  	s12 =	sadd.s32 s12, s16;
	s13 =	sadd.s32 s13, s16;
	s16 =	simm.s32 $0x3  }
.LBB2_1:
0x16: {  	_ =	strace $0x80000048  }
0x17: {  	[spmem:s15], [sflag:s14] =	dma.local [hbm:s5], $0x2700  }
0x18: {  	_ =	swait.ge [sflag:s16], $0x2700  }
0x19: {  	[sflag:s16] =	ssyncset.done $0x0  }
0x1a: {  	s28 =	simm.s32 @!p0 $0x3;
	[sflag:s16] =	ssyncadd.s32 $0xFFFFD900  }
0x1b: {  	[spmem:s17], [sflag:s14] =	dma.local @!p0 [hbm:s6], $0x100  }
0x1c: {  	_ =	swait.ge @!p0 [sflag:s28], $0x100  }
0x1d: {  	[sflag:s28] =	ssyncset.done @!p0 $0x0  }
0x1e: {  	[sflag:s28] =	ssyncadd.s32 @!p0 $0xFFFFFF00  }
0x1f: {  	[bflag:$0x0] =	sbarrier.arrive $0xFFFF  }
0x20: {  	_ =	strace $0x90000048  }
0x21: {  	_ =	strace $0x80000049  }
0x22: {  	[tilespmem:s4], [sflag:$0x3] =	stream.linear.gather [hbm4b:s10+s4], $0x1400, $0x200038;
	[tilespmem:$0x1E480] =	vst v63  }
0x23: {  	_ =	swait.ge [sflag:s16], $0x1400  }
0x24: {  	[sflag:s16] =	ssyncset.done $0x0  }
0x25: {  	[sflag:s16] =	ssyncadd.s32 $0xFFFFEC00  }
0x26: {  	[tilespmem:s18], [sflag:$0x3] =	stream.linear.gather [hbm4b:s11+s4], $0x1400, $0x200038;
	[tilespmem:$0x1E480] =	vst v63  }
0x27: {  	_ =	swait.ge [sflag:s16], $0x1400  }
0x28: {  	[sflag:s16] =	ssyncset.done $0x0  }
0x29: {  	[sflag:s16] =	ssyncadd.s32 $0xFFFFEC00  }
0x2a: {  	[tilespmem:s20], [sflag:$0x1] =	stream.indirect.gather [hbm4b:s1+s19], $0x80, s4, s19, $0x2000b8;
	[tilespmem:$0x1E480] =	vst v63  }
0x2b: {  	_ = 	snop  }
0x2c: {  	[tilespmem:s21], [sflag:$0x2] =	stream.indirect.gather [hbm4b:s1+s19], $0x80, s19, s19, $0x2000b8;
	[tilespmem:$0x1E480] =	vst v63  }
0x2d: {  	_ =	swait.ge [sflag:s22], $0x4000  }
0x2e: {  	[sflag:s22] =	ssyncset.done $0x0  }
0x2f: {  	s28 =	simm.s32 $0x1400;
	[sflag:s22] =	ssyncadd.s32 $0xFFFFC000  }
0x30: {  	[spmem:s2] =	stream.indirect.scatter.add.f32 [tilespmem:s20], [sflag:$0x3], $0x80, s28, s19, $0x2000b8;
	[tilespmem:$0x1E480] =	vst v63  }
0x31: {  	_ =	swait.ge [sflag:s16], $0x4000  }
0x32: {  	[sflag:s16] =	ssyncset.done $0x0  }
0x33: {  	s28 =	simm.s32 $0x100;
	[sflag:s16] =	ssyncadd.s32 $0xFFFFC000  }
0x34: {  	[tilespmem:s20], [sflag:$0x1] =	stream.indirect.gather [hbm4b:s1+s19], $0x80, s28, s19, $0x2000b8;
	[tilespmem:$0x1E480] =	vst v63  }
0x35: {  	_ =	swait.ge [sflag:s23], $0x4000  }
0x36: {  	[sflag:s23] =	ssyncset.done $0x0  }
0x37: {  	s28 =	simm.s32 $0x1480;
	[sflag:s23] =	ssyncadd.s32 $0xFFFFC000  }
0x38: {  	[spmem:s2] =	stream.indirect.scatter.add.f32 [tilespmem:s21], [sflag:$0x3], $0x80, s28, s19, $0x2000b8;
	[tilespmem:$0x1E480] =	vst v63  }
0x39: {  	_ =	swait.ge [sflag:s16], $0x4000  }
0x3a: {  	[sflag:s16] =	ssyncset.done $0x0  }
0x3b: {  	s29 =	simm.s32 $0x180;
	s28 =	simm.s32 $0x400;
	[sflag:s16] =	ssyncadd.s32 $0xFFFFC000  }
.LBB2_2:
0x3c: {  	[tilespmem:s21], [sflag:$0x2] =	stream.indirect.gather [hbm4b:s1+s19], $0x80, s29, s19, $0x2000b8;
	[tilespmem:$0x1E480] =	vst v63  }
0x3d: {  	s29 =	smov.u32 s28  }
0x3e: {  	p1 =	sne.s32 s28, $0x4800;
	s28 =	sadd.s32 $0x400, s28;
	_ =	swait.ge [sflag:s22], $0x4000  }
0x3f: {  	s29 =	sshra.s32 s29, $0x2;
	[sflag:s22] =	ssyncset.done $0x0  }
0x40: {  	s30 =	sadd.s32 $0x1400, s29;
	[sflag:s22] =	ssyncadd.s32 $0xFFFFC000  }
0x41: {  	[spmem:s2] =	stream.indirect.scatter.add.f32 [tilespmem:s20], [sflag:$0x3], $0x80, s30, s19, $0x2000b8;
	[tilespmem:$0x1E480] =	vst v63  }
0x42: {  	_ =	swait.ge [sflag:s16], $0x4000  }
0x43: {  	[sflag:s16] =	ssyncset.done $0x0  }
0x44: {  	s30 =	sadd.s32 $0x100, s29;
	[sflag:s16] =	ssyncadd.s32 $0xFFFFC000  }
0x45: {  	[tilespmem:s20], [sflag:$0x1] =	stream.indirect.gather [hbm4b:s1+s19], $0x80, s30, s19, $0x2000b8;
	[tilespmem:$0x1E480] =	vst v63  }
0x46: {  	_ =	swait.ge [sflag:s23], $0x4000  }
0x47: {  	[sflag:s23] =	ssyncset.done $0x0  }
.Ltmp0:
0x48: {  	s30 =	sadd.s32 $0x1480, s29;
	[sflag:s23] =	ssyncadd.s32 $0xFFFFC000;
	(pc) =	sbr.rel @p1 .LBB2_2-.Ltmp0, $4  }
0x49: {  	[spmem:s2] =	stream.indirect.scatter.add.f32 [tilespmem:s21], [sflag:$0x3], $0x80, s30, s19, $0x2000b8;
	[tilespmem:$0x1E480] =	vst v63  }
0x4a: {  	_ =	swait.ge [sflag:s16], $0x4000  }
0x4b: {  	[sflag:s16] =	ssyncset.done $0x0  }
0x4c: {  	s29 =	sadd.s32 $0x180, s29;
	[sflag:s16] =	ssyncadd.s32 $0xFFFFC000  }
0x4d: {  	[tilespmem:s21], [sflag:$0x2] =	stream.indirect.gather [hbm4b:s1+s19], $0x80, s29, s19, $0x2000b8;
	[tilespmem:$0x1E480] =	vst v63  }
0x4e: {  	_ =	swait.ge [sflag:s22], $0x4000  }
0x4f: {  	[sflag:s22] =	ssyncset.done $0x0  }
0x50: {  	[sflag:s22] =	ssyncadd.s32 $0xFFFFC000  }
0x51: {  	[spmem:s2] =	stream.indirect.scatter.add.f32 [tilespmem:s20], [sflag:$0x3], $0x80, s24, s19, $0x2000b8;
	[tilespmem:$0x1E480] =	vst v63  }
0x52: {  	_ =	swait.ge [sflag:s16], $0x4000  }
0x53: {  	[sflag:s16] =	ssyncset.done $0x0  }
0x54: {  	[sflag:s16] =	ssyncadd.s32 $0xFFFFC000  }
0x55: {  	_ =	swait.ge [sflag:s23], $0x4000  }
0x56: {  	[sflag:s23] =	ssyncset.done $0x0  }
0x57: {  	[sflag:s23] =	ssyncadd.s32 $0xFFFFC000  }
0x58: {  	[spmem:s2] =	stream.indirect.scatter.add.f32 [tilespmem:s21], [sflag:$0x3], $0x80, s25, s19, $0x2000b8;
	[tilespmem:$0x1E480] =	vst v63  }
0x59: {  	_ =	swait.ge [sflag:s16], $0x4000  }
0x5a: {  	[sflag:s16] =	ssyncset.done $0x0  }
0x5b: {  	s28 =	simm.s32 $0x0;
	[sflag:s16] =	ssyncadd.s32 $0xFFFFC000  }
0x5c: {  	[tilespmem:s28], [sflag:$0x3] =	stream.linear.gather [hbm4b:s12+s28], $0x1400, $0x200038;
	[tilespmem:$0x1E480] =	vst v63  }
0x5d: {  	_ =	swait.ge [sflag:s16], $0x1400  }
0x5e: {  	[sflag:s16] =	ssyncset.done $0x0  }
0x5f: {  	[sflag:s16] =	ssyncadd.s32 $0xFFFFEC00  }
0x60: {  	[tilespmem:s18], [sflag:$0x3] =	stream.linear.gather [hbm4b:s13+s28], $0x1400, $0x200038;
	[tilespmem:$0x1E480] =	vst v63  }
0x61: {  	_ =	swait.ge [sflag:s16], $0x1400  }
0x62: {  	[sflag:s16] =	ssyncset.done $0x0  }
0x63: {  	[sflag:s16] =	ssyncadd.s32 $0xFFFFEC00  }
0x64: {  	[tilespmem:s20], [sflag:$0x1] =	stream.indirect.gather [hbm4b:s1+s19], $0x80, s28, s19, $0x2000b8;
	[tilespmem:$0x1E480] =	vst v63  }
0x65: {  	_ = 	snop  }
0x66: {  	[tilespmem:s21], [sflag:$0x2] =	stream.indirect.gather [hbm4b:s1+s19], $0x80, s19, s19, $0x2000b8;
	[tilespmem:$0x1E480] =	vst v63  }
0x67: {  	_ =	swait.ge [sflag:s22], $0x4000  }
0x68: {  	[sflag:s22] =	ssyncset.done $0x0  }
0x69: {  	s28 =	simm.s32 $0x1400;
	[sflag:s22] =	ssyncadd.s32 $0xFFFFC000  }
0x6a: {  	[spmem:s2] =	stream.indirect.scatter.add.f32 [tilespmem:s20], [sflag:$0x3], $0x80, s28, s19, $0x2000b8;
	[tilespmem:$0x1E480] =	vst v63  }
0x6b: {  	_ =	swait.ge [sflag:s16], $0x4000  }
0x6c: {  	[sflag:s16] =	ssyncset.done $0x0  }
0x6d: {  	s28 =	simm.s32 $0x100;
	[sflag:s16] =	ssyncadd.s32 $0xFFFFC000  }
0x6e: {  	[tilespmem:s20], [sflag:$0x1] =	stream.indirect.gather [hbm4b:s1+s19], $0x80, s28, s19, $0x2000b8;
	[tilespmem:$0x1E480] =	vst v63  }
0x6f: {  	_ =	swait.ge [sflag:s23], $0x4000  }
0x70: {  	[sflag:s23] =	ssyncset.done $0x0  }
0x71: {  	s28 =	simm.s32 $0x1480;
	[sflag:s23] =	ssyncadd.s32 $0xFFFFC000  }
0x72: {  	[spmem:s2] =	stream.indirect.scatter.add.f32 [tilespmem:s21], [sflag:$0x3], $0x80, s28, s19, $0x2000b8;
	[tilespmem:$0x1E480] =	vst v63  }
0x73: {  	_ =	swait.ge [sflag:s16], $0x4000  }
0x74: {  	[sflag:s16] =	ssyncset.done $0x0  }
0x75: {  	s29 =	simm.s32 $0x180;
	s28 =	simm.s32 $0x400;
	[sflag:s16] =	ssyncadd.s32 $0xFFFFC000  }
.LBB2_4:
0x76: {  	[tilespmem:s21], [sflag:$0x2] =	stream.indirect.gather [hbm4b:s1+s19], $0x80, s29, s19, $0x2000b8;
	[tilespmem:$0x1E480] =	vst v63  }
0x77: {  	s29 =	smov.u32 s28  }
0x78: {  	p1 =	sne.s32 s28, $0x4800;
	s28 =	sadd.s32 $0x400, s28;
	_ =	swait.ge [sflag:s22], $0x4000  }
0x79: {  	s29 =	sshra.s32 s29, $0x2;
	[sflag:s22] =	ssyncset.done $0x0  }
0x7a: {  	s30 =	sadd.s32 $0x1400, s29;
	[sflag:s22] =	ssyncadd.s32 $0xFFFFC000  }
0x7b: {  	[spmem:s2] =	stream.indirect.scatter.add.f32 [tilespmem:s20], [sflag:$0x3], $0x80, s30, s19, $0x2000b8;
	[tilespmem:$0x1E480] =	vst v63  }
0x7c: {  	_ =	swait.ge [sflag:s16], $0x4000  }
0x7d: {  	[sflag:s16] =	ssyncset.done $0x0  }
0x7e: {  	s30 =	sadd.s32 $0x100, s29;
	[sflag:s16] =	ssyncadd.s32 $0xFFFFC000  }
0x7f: {  	[tilespmem:s20], [sflag:$0x1] =	stream.indirect.gather [hbm4b:s1+s19], $0x80, s30, s19, $0x2000b8;
	[tilespmem:$0x1E480] =	vst v63  }
0x80: {  	_ =	swait.ge [sflag:s23], $0x4000  }
0x81: {  	[sflag:s23] =	ssyncset.done $0x0  }
.Ltmp1:
0x82: {  	s30 =	sadd.s32 $0x1480, s29;
	[sflag:s23] =	ssyncadd.s32 $0xFFFFC000;
	(pc) =	sbr.rel @p1 .LBB2_4-.Ltmp1, $4  }
0x83: {  	[spmem:s2] =	stream.indirect.scatter.add.f32 [tilespmem:s21], [sflag:$0x3], $0x80, s30, s19, $0x2000b8;
	[tilespmem:$0x1E480] =	vst v63  }
0x84: {  	_ =	swait.ge [sflag:s16], $0x4000  }
0x85: {  	[sflag:s16] =	ssyncset.done $0x0  }
0x86: {  	s29 =	sadd.s32 $0x180, s29;
	[sflag:s16] =	ssyncadd.s32 $0xFFFFC000  }
0x87: {  	[tilespmem:s21], [sflag:$0x2] =	stream.indirect.gather [hbm4b:s1+s19], $0x80, s29, s19, $0x2000b8;
	[tilespmem:$0x1E480] =	vst v63  }
0x88: {  	_ =	swait.ge [sflag:s22], $0x4000  }
0x89: {  	[sflag:s22] =	ssyncset.done $0x0  }
0x8a: {  	[sflag:s22] =	ssyncadd.s32 $0xFFFFC000  }
0x8b: {  	[spmem:s2] =	stream.indirect.scatter.add.f32 [tilespmem:s20], [sflag:$0x3], $0x80, s24, s19, $0x2000b8;
	[tilespmem:$0x1E480] =	vst v63  }
0x8c: {  	_ =	swait.ge [sflag:s16], $0x4000  }
0x8d: {  	[sflag:s16] =	ssyncset.done $0x0  }
0x8e: {  	[sflag:s16] =	ssyncadd.s32 $0xFFFFC000  }
0x8f: {  	_ =	swait.ge [sflag:s23], $0x4000  }
0x90: {  	[sflag:s23] =	ssyncset.done $0x0  }
0x91: {  	[sflag:s23] =	ssyncadd.s32 $0xFFFFC000  }
0x92: {  	[spmem:s2] =	stream.indirect.scatter.add.f32 [tilespmem:s21], [sflag:$0x3], $0x80, s25, s19, $0x2000b8;
	[tilespmem:$0x1E480] =	vst v63  }
0x93: {  	_ =	swait.ge [sflag:s16], $0x4000  }
0x94: {  	[sflag:s16] =	ssyncset.done $0x0  }
0x95: {  	[sflag:s16] =	ssyncadd.s32 $0xFFFFC000  }
0x96: {  	_ =	strace $0x90000049  }
0x97: {  	[bflag:$0x0] =	sbarrier.arrive $0xFFFF  }
0x98: {  	_ =	strace $0x8000004A  }
0x99: {  	[hbm:s7], [sflag:s14] =	dma.local [spmem:s15], $0x2700  }
0x9a: {  	_ =	swait.ge [sflag:s16], $0x2700  }
0x9b: {  	s26 =	sadd.s32 $0x1, s26;
	[sflag:s16] =	ssyncset.done $0x0  }
0x9c: {  	p1 =	sne.s32 s26, s9;
	[sflag:s16] =	ssyncadd.s32 $0xFFFFD900  }
0x9d: {  	[hbm:s8], [sflag:s14] =	dma.local @!p0 [spmem:s17], $0x100  }
.Ltmp2:
0x9e: {  	s28 =	simm.s32 @!p0 $0x3;
	(pc) =	sbr.rel @p1 .LBB2_1-.Ltmp2, $4  }
0x9f: {  	_ =	swait.ge @!p0 [sflag:s28], $0x100  }
0xa0: {  	[sflag:s28] =	ssyncset.done @!p0 $0x0  }
0xa1: {  	[sflag:s28] =	ssyncadd.s32 @!p0 $0xFFFFFF00  }
0xa2: {  	_ =	strace $0x9000004A  }
0xa3: {  	_ =	sfence.sel $0x180000  }
0xa4: {  	[bflag:$0x0] =	sbarrier.arrive $0xFFFF  }
0xa5: {  	p0 =	sne.s32 s3, $0x0;
	_ =	strace $0x90000047  }
0xa6: {  	s0 =	sadd.s32 @!p0 $0x100000, s0;
	[bflag:$0x2] =	sbarrier.arrive $0xFFFF  }
0xa7: {  	[sflag:s0] =	ssyncadd.tile.s32 @!p0 $0x1;
	_ =	shalt  }
.Lfunc_end2:
_tile_overlayer_lowered:
.L_overlay_start_2:
0xa8: {  	(tag) =	ssettag $0x2  }
0xa9: {  	s0 =	rddreg [dreg:$0x0];
	s2 =	stileid.u32  }
0xaa: {  	s1 =	rddreg [dreg:$0x1];
	p0 =	sne.s32 s2, $0x0  }
0xab: {  	s3 =	rddreg [dreg:$0x2];
	[bflag:$0x3] =	sbarrier.arrive $0xFFFF;
	s2 =	simm.s32 @!p0 $0x1C03  }
0xac: {  	[timem:s3], [sflag:s2] =	dma.local @!p0 [hbm:s0], s1  }
0xad: {  	s0 =	simm.s32 @!p0 $0x3  }
0xae: {  	_ =	swait.ge @!p0 [sflag:s0], s1  }
0xaf: {  	s1 =	ssub.s32 @!p0 $0x0, s1;
	[sflag:s0] =	ssyncset.done @!p0 $0x0  }
0xb0: {  	[sflag:s0] =	ssyncadd.s32 @!p0 s1  }
0xb1: {  	[bflag:$0x3] =	sbarrier.arrive $0xFFFF  }
0xb2: {  	_ =	shalt  }

// kernel: kernel.9.cloned.1.call-start
scs
__scs_entry_jumppad:
0x0: {  	(pc) =	sbr.rel $0x88, $3  }
0x1: {  	(tag) =	ssettag $0x0;
	lr =	simm.s32 $0x1  }
0x2: {  	[smem:$0x3F97] =	sst lr;
	_ =	strace $0xD0000000  }
0x3: {  	_ = 	snop  }
0x4: {  	_ = 	snop  }
0x5: {  	_ = 	snop  }
0x6: {  	_ = 	snop  }
0x7: {  	_ = 	snop  }
__scs_overlays_trampoline_lowered:
0x8: {  	[smem:$0x3FA6] =	sst s0  }
0x9: {  	[smem:$0x3FA7] =	sst s1  }
0xa: {  	[smem:$0x3FA8] =	sst s2  }
0xb: {  	[smem:$0x3FA9] =	sst s3  }
0xc: {  	[smem:$0x3FAA] =	sst s4  }
0xd: {  	[smem:$0x3FAB] =	sst s5  }
0xe: {  	[smem:$0x3FAC] =	sst s6  }
0xf: {  	[smem:$0x3FAD] =	sst s7  }
0x10: {  	[smem:$0x3FAE] =	sst s8  }
0x11: {  	[smem:$0x3FAF] =	sst s9;
	s0 =	simm.s32 @!p0 $0x0  }
0x12: {  	s1 =	sld [smem:$0x3F95];
	s0 =	simm.s32 @p0 $0x1  }
0x13: {  	[smem:$0x3FB0] =	sst s0;
	s0 =	simm.s32 @!p1 $0x0  }
0x14: {  	s2 =	sld [smem:$0x3F94];
	s0 =	simm.s32 @p1 $0x1  }
0x15: {  	[smem:$0x3FB1] =	sst s0;
	s0 =	simm.s32 @!p2 $0x0  }
0x16: {  	s3 =	sld [smem:$0x3FDB];
	s0 =	simm.s32 @p2 $0x1  }
0x17: {  	s4 =	simm.s32 $0x1BF5;
	[smem:$0x3FB3] =	sst s0  }
0x18: {  	s0 =	sld [smem:$0x3F96];
	_ =	swait.ge [sflag:s4], $0x0  }
0x19: {  	s7 =	sld [smem:$0x3F97]  }
0x1a: {  	s8 =	sadd.s32 $0xFFFFE003, lr  }
0x1b: {  	s9 =	sadd.s32 $0xFFFFFEF7, lr;
	s5 =	simm.s32 $0xFFFFFFFF;
	p2 =	slt.u32 s8, $0xFFFFF086  }
0x1c: {  	p1 =	slt.u32 s9, $0xF7A;
	s5 =	simm.s32 @!p2 $0x0  }
0x1d: {  	s5 =	simm.s32 @p1 $0x1;
	p0 =	seq.s32 s7, s2  }
0x1e: {  	s7 =	smul.u32 @!p0 $0xF7A, s2;
	p2 =	seq.s32 @!p0 s5, $0x0  }
0x1f: {  	s9 =	smul.u32 $0xF7A, s1;
	s8 =	simm.s32 @!p0 $0x1BF5;
	p2 =	por !p2, p0  }
0x20: {  	[sflag:s8] =	ssyncset.s32 @!p0 $0xFFFFF086;
	s6 =	sadd.s32 @!p0 s3, s7;
	s7 =	simm.s32 @!p0 $0x108  }
0x21: {  	s3 =	sadd.s32 s3, s9;
	s6 =	sadd.s32 @!p0 $0x88, s6;
	s7 =	simm.s32 @p2 $0x1082  }
0x22: {  	[simem:s7], [sflag:s8] =	dma.local @!p0 [hbm:s6], $0xF7A  }
0x23: {  	s9 =	sor.u32 $0xD0000000, s2;
	s6 =	simm.s32 $0x108;
	_ =	swait.ge @!p0 [sflag:s8], $0x0  }
0x24: {  	s3 =	sadd.s32 $0x88, s3;
	s6 =	simm.s32 @!p1 $0x1082;
	[sflag:s4] =	ssyncset.s32 $0xFFFFF086  }
0x25: {  	[simem:s6], [sflag:s4] =	dma.local [hbm:s3], $0xF7A  }
0x26: {  	[smem:$0x3F97] =	sst s1;
	(tag) =	ssettag s2;
	_ =	strace s9  }
0x27: {  	s1 =	sld [smem:$0x3FA7]  }
0x28: {  	s2 =	sld [smem:$0x3FA8]  }
0x29: {  	s4 =	sld [smem:$0x3FAA]  }
0x2a: {  	p0 =	seq.s32 s5, $0x0;
	s5 =	sld [smem:$0x3FAB]  }
0x2b: {  	s6 =	sld [smem:$0x3FAC]  }
0x2c: {  	s7 =	sld [smem:$0x3FAD]  }
0x2d: {  	s3 =	simm.s32 $0x108;
	s8 =	sld [smem:$0x3FAE]  }
0x2e: {  	s3 =	simm.s32 @!p0 $0x1082;
	s9 =	sld [smem:$0x3FAF]  }
0x2f: {  	lr =	sadd.s32 s0, s3;
	s0 =	sld [smem:$0x3FA6]  }
0x30: {  	s3 =	sld [smem:$0x3FA9]  }
0x31: {  	[smem:$0x3FB2] =	sst s10  }
0x32: {  	s10 =	sld [smem:$0x3FB0];
	_ =	sdelay $0x3  }
0x33: {  	p0 =	seq.s32 s10, $0x1;
	s10 =	sld [smem:$0x3FB2];
	_ =	sdelay $0x3  }
0x34: {  	[smem:$0x3FB2] =	sst s10  }
0x35: {  	s10 =	sld [smem:$0x3FB1];
	_ =	sdelay $0x3  }
0x36: {  	p1 =	seq.s32 s10, $0x1;
	s10 =	sld [smem:$0x3FB2];
	_ =	sdelay $0x3  }
0x37: {  	[smem:$0x3FB2] =	sst s10  }
0x38: {  	s10 =	sld [smem:$0x3FB3]  }
0x39: {  	_ = 	snop;
	(pc) =	sbr.ind lr, $3  }
0x3a: {  	_ = 	snop  }
0x3b: {  	_ = 	snop  }
0x3c: {  	p2 =	seq.s32 s10, $0x1;
	s10 =	sld [smem:$0x3FB2]  }
0x3d: {  	_ =	shalt  }
0x3e: {  	_ =	shalt  }
0x3f: {  	_ =	shalt  }
0x40: {  	_ =	shalt  }
0x41: {  	_ =	shalt  }
0x42: {  	_ =	shalt  }
0x43: {  	_ =	shalt  }
0x44: {  	_ =	shalt  }
0x45: {  	_ =	shalt  }
0x46: {  	_ =	shalt  }
0x47: {  	_ =	shalt  }
0x48: {  	_ =	shalt  }
0x49: {  	_ =	shalt  }
0x4a: {  	_ =	shalt  }
0x4b: {  	_ =	shalt  }
0x4c: {  	_ =	shalt  }
0x4d: {  	_ =	shalt  }
0x4e: {  	_ =	shalt  }
0x4f: {  	_ =	shalt  }
0x50: {  	_ =	shalt  }
0x51: {  	_ =	shalt  }
0x52: {  	_ =	shalt  }
0x53: {  	_ =	shalt  }
0x54: {  	_ =	shalt  }
0x55: {  	_ =	shalt  }
0x56: {  	_ =	shalt  }
0x57: {  	_ =	shalt  }
0x58: {  	_ =	shalt  }
0x59: {  	_ =	shalt  }
0x5a: {  	_ =	shalt  }
0x5b: {  	_ =	shalt  }
0x5c: {  	_ =	shalt  }
0x5d: {  	_ =	shalt  }
0x5e: {  	_ =	shalt  }
0x5f: {  	_ =	shalt  }
0x60: {  	_ =	shalt  }
0x61: {  	_ =	shalt  }
0x62: {  	_ =	shalt  }
0x63: {  	_ =	shalt  }
0x64: {  	_ =	shalt  }
0x65: {  	_ =	shalt  }
0x66: {  	_ =	shalt  }
0x67: {  	_ =	shalt  }
0x68: {  	_ =	shalt  }
0x69: {  	_ =	shalt  }
0x6a: {  	_ =	shalt  }
0x6b: {  	_ =	shalt  }
0x6c: {  	_ =	shalt  }
0x6d: {  	_ =	shalt  }
0x6e: {  	_ =	shalt  }
0x6f: {  	_ =	shalt  }
0x70: {  	_ =	shalt  }
0x71: {  	_ =	shalt  }
0x72: {  	_ =	shalt  }
0x73: {  	_ =	shalt  }
0x74: {  	_ =	shalt  }
0x75: {  	_ =	shalt  }
0x76: {  	_ =	shalt  }
0x77: {  	_ =	shalt  }
0x78: {  	_ =	shalt  }
0x79: {  	_ =	shalt  }
0x7a: {  	_ =	shalt  }
0x7b: {  	_ =	shalt  }
0x7c: {  	_ =	shalt  }
0x7d: {  	_ =	shalt  }
0x7e: {  	_ =	shalt  }
0x7f: {  	_ =	shalt  }
0x80: {  	_ =	shalt  }
0x81: {  	_ =	shalt  }
0x82: {  	_ =	shalt  }
0x83: {  	_ =	shalt  }
0x84: {  	_ =	shalt  }
0x85: {  	_ =	shalt  }
0x86: {  	_ =	shalt  }
0x87: {  	_ =	shalt  }
.Lfunc_end0:
.L_simem_size_0:
called_computation.1_lowered:
.L_overlay_start_0:
0x88: {  	s2 =	sld [smem:$0x3FD9]  }
0x89: {  	s3 =	sld [smem:$0x3FFE];
	_ =	sdelay $0x1  }
0x8a: {  	s1 =	srdreg.scid  }
0x8b: {  	s0 =	sand.u32 $0x1, s1  }
0x8c: {  	s17 =	sshll.u32 s0, $0xA;
	s2 =	sadd.s32 s3, s2  }
0x8d: {  	s2 =	sadd.s32 s2, s17  }
0x8e: {  	[smem:$0x3FBE] =	sst s2  }
0x8f: {  	_ = 	snop  }
0x90: {  	s2 =	sld [smem:$0x3FD0];
	(tm) =	ssettm $0x1  }
0x91: {  	s18 =	sld [smem:$0x3FFB];
	_ =	sdelay $0x3  }
0x92: {  	_ =	strace s18  }
0x93: {  	s3 =	sld [smem:$0x3FFC];
	_ =	sdelay $0x3  }
0x94: {  	_ =	strace s3  }
0x95: {  	s3 =	sld [smem:$0x3FFD];
	_ =	sdelay $0x3  }
0x96: {  	_ =	strace s3  }
0x97: {  	_ =	strace $0x8FFFFFFF  }
0x98: {  	s19 =	sld [smem:$0x3FDB];
	_ =	sdelay $0x1  }
0x99: {  	s4 =	simm.s32 $_scs_section_size  }
0x9a: {  	s5 =	simm.s32 $_size__tile_overlayer_lowered;
	s6 =	simm.s32 $_tile_overlayer_lowered  }
0x9b: {  	s22 =	simm.s32 $0x1BFF;
	s21 =	sshll.u32 s6, $0x1;
	s3 =	sadd.s32 s4, s19  }
0x9c: {  	s7 =	simm.s32 $0x0;
	s20 =	sshll.u32 s5, $0x1;
	s5 =	sadd.s32 s21, s3  }
0x9d: {  	[timem:s7], [sflag:s22] =	dma.local [hbm:s5], s20  }
0x9e: {  	_ =	swait.ge [sflag:s22], s20  }
0x9f: {  	s4 =	ssub.s32 $0x0, s20;
	[sflag:s22] =	ssyncset.done $0x0  }
0xa0: {  	[sflag:s22] =	ssyncadd.s32 s4;
	_ =	sdelay $0x1  }
0xa1: {  	s23 =	simm.s32 $0x1B8B  }
0xa2: {  	_ =	swait.ge [sflag:s23], $0x1  }
0xa3: {  	[sflag:s23] =	ssyncset.done $0x0  }
0xa4: {  	s25 =	simm.s32 $0x1B8E;
	s24 =	sld [smem:$0x3FFE];
	[sflag:s23] =	ssyncadd.s32 $0xFFFFFFFF  }
0xa5: {  	s26 =	simm.s32 $execute0_lowered;
	[smem:$0x3FD2] =	sst s25  }
0xa6: {  	s5 =	sshll.u32 s26, $0x1;
	_ =	strace $0x8000004C;
	[dreg:$0x1] =	wrdreg $0xFFFFFFFF  }
0xa7: {  	s28 =	simm.s32 $_size_execute0_lowered;
	s3 =	sadd.s32 s3, s5;
	[dreg:$0x0] =	wrdreg $0x0  }
0xa8: {  	s5 =	sshll.u32 s28, $0x1;
	[dreg:$0x2] =	wrdreg s3  }
0xa9: {  	[dreg:$0x3] =	wrdreg s5  }
0xaa: {  	[dreg:$0x4] =	wrdreg $0xC0  }
0xab: {  	_ =	task [dreg:s7], $0x5FFFF  }
0xac: {  	[dreg:$0x1] =	wrdreg $0xFFFFFFFF  }
0xad: {  	[dreg:$0x0] =	wrdreg $0x60  }
0xae: {  	[dreg:$0x2] =	wrdreg s2  }
0xaf: {  	[dreg:$0x3] =	wrdreg s24  }
0xb0: {  	[dreg:$0x4] =	wrdreg $0xA8000  }
0xb1: {  	[dreg:$0x5] =	wrdreg $0x9  }
0xb2: {  	_ =	task.clear_ibuf [dreg:s7], $0x6FFFF;
	_ =	strace $0x9000004C  }
0xb3: {  	s29 =	simm.s32 $0x9;
	_ =	strace $0x80000051  }
0xb4: {  	_ =	swait.ge [sflag:s29], $0x1  }
0xb5: {  	[sflag:s29] =	ssyncadd.s32 $0xFFFFFFFF  }
0xb6: {  	_ =	strace $0x90000051  }
0xb7: {  	_ =	sfence  }
0xb8: {  	s30 =	sld [smem:$0x0];
	_ =	sdelay $0x2  }
0xb9: {  	s31 =	sshll.u32 s1, $0xD;
	s1 =	sshrl.u32 s1, $0x2  }
0xba: {  	s3 =	sand.u32 $0x4000, s31;
	s1 =	sadd.s32 s1, s30  }
0xbb: {  	s0 =	sor.u32 s3, s0;
	s1 =	sshll.u32 s1, $0x11  }
0xbc: {  	s0 =	sor.u32 s1, s0  }
0xbd: {  	s0 =	sadd.s32 $0x8F2B, s0  }
0xbe: {  	[sflag:s0] =	ssyncadd.remote.s32 $0x1  }
0xbf: {  	_ =	sfence.sel $0xFFFF  }
0xc0: {  	[dreg:$0x0] =	wrdreg $0xFFFFFFFF;
	(pc) =	sbr.abs _section_cstart, $3  }
0xc1: {  	[dreg:$0x1] =	wrdreg $0xFFFFFFFF  }
0xc2: {  	_ =	task.clear_ibuf [dreg:s7], $0x2FFFF;
	_ =	strace $0x9FFFFFFF  }
0xc3: {  	(tm) =	ssettm $0x7FFFFFFF  }
tec
execute0_lowered:
.L_overlay_start_1:
0x0: {  	(tag) =	ssettag $0x1  }
0x1: {  	s1 =	rddreg [dreg:$0x0]  }
0x2: {  	s5 =	rddreg [dreg:$0x1]  }
0x3: {  	s2 =	rddreg [dreg:$0x2]  }
0x4: {  	s0 =	rddreg [dreg:$0x3]  }
0x5: {  	s4 =	simm.s32 $0x0;
	s6 =	srdreg.scid;
	s3 =	stileid.u32  }
0x6: {  	s18 =	simm.s32 $0x1400;
	s19 =	simm.s32 $0x80;
	s20 =	simm.s32 $0x2800  }
0x7: {  	s21 =	simm.s32 $0x6800;
	s22 =	simm.s32 $0x1;
	s23 =	simm.s32 $0x2  }
0x8: {  	s24 =	simm.s32 $0x2700;
	[smem:$0x7FF] =	sst s4;
	s6 =	sand.u32 $0x1, s6  }
0x9: {  	s12 =	sadd.s32 $0x2200, s5;
	s8 =	smul.u32 $0x4E000, s3;
	s13 =	sadd.s32 $0xC200, s5  }
0xa: {  	s10 =	smul.u32 $0x13800, s3;
	s11 =	sadd.s32 $0x16200, s5;
	s17 =	sadd.s32 $0x138000, s2  }
0xb: {  	s31 =	sshll.u32 s3, $0x6;
	p0 =	sne.s32 s3, $0xF;
	_ =	strace $0x8000004D  }
0xc: {  	s7 =	ssub.s32 $0x2, s6;
	s28 =	smul.u32 $0x138800, s6;
	s6 =	sshll.u32 s6, $0x4  }
0xd: {  	s17 =	sshrl.u32 @!p0 s17, $0x3;
	s9 =	sshrl.u32 s7, $0x1;
	s25 =	sshrl.u32 s8, $0x2  }
0xe: {  	s26 =	sshrl.u32 s10, $0x3;
	s6 =	sor.u32 s3, s6;
	s9 =	ssub.s32 s7, s9  }
0xf: {  	s15 =	sadd.s32 s25, s2;
	s5 =	sadd.s32 s1, s26;
	s29 =	sadd.s32 s10, s28  }
0x10: {  	s7 =	sshrl.u32 s28, $0x3;
	s14 =	smul.u32 $0x500, s6;
	s6 =	sadd.s32 $0x27000, s1  }
0x11: {  	s25 =	simm.s32 $0x2780;
	s26 =	simm.s32 $0x0;
	s8 =	sshrl.u32 s29, $0x3  }
0x12: {  	s30 =	sadd.s32 s11, s7;
	s9 =	smax.u32 s9, $0x1;
	s15 =	sshrl.u32 s15, $0x3  }
0x13: {  	s7 =	sadd.s32 s11, s8;
	s8 =	sadd.s32 $0x27000, s30;
	s10 =	sadd.s32 s12, s14  }
0x14: {  	s16 =	sadd.s32 $0x280, s14;
	s11 =	sadd.s32 s13, s14;
	s14 =	sor.u32 $0x1C03, s31  }
0x15: {  	s12 =	sadd.s32 s12, s16;
	s13 =	sadd.s32 s13, s16;
	s16 =	simm.s32 $0x3  }
.LBB2_1:
0x16: {  	_ =	strace $0x8000004E  }
0x17: {  	[spmem:s15], [sflag:s14] =	dma.local [hbm:s5], $0x2700  }
0x18: {  	_ =	swait.ge [sflag:s16], $0x2700  }
0x19: {  	[sflag:s16] =	ssyncset.done $0x0  }
0x1a: {  	s28 =	simm.s32 @!p0 $0x3;
	[sflag:s16] =	ssyncadd.s32 $0xFFFFD900  }
0x1b: {  	[spmem:s17], [sflag:s14] =	dma.local @!p0 [hbm:s6], $0x100  }
0x1c: {  	_ =	swait.ge @!p0 [sflag:s28], $0x100  }
0x1d: {  	[sflag:s28] =	ssyncset.done @!p0 $0x0  }
0x1e: {  	[sflag:s28] =	ssyncadd.s32 @!p0 $0xFFFFFF00  }
0x1f: {  	[bflag:$0x0] =	sbarrier.arrive $0xFFFF  }
0x20: {  	_ =	strace $0x9000004E  }
0x21: {  	_ =	strace $0x8000004F  }
0x22: {  	[tilespmem:s4], [sflag:$0x3] =	stream.linear.gather [hbm4b:s10+s4], $0x1400, $0x200038;
	[tilespmem:$0x1E480] =	vst v63  }
0x23: {  	_ =	swait.ge [sflag:s16], $0x1400  }
0x24: {  	[sflag:s16] =	ssyncset.done $0x0  }
0x25: {  	[sflag:s16] =	ssyncadd.s32 $0xFFFFEC00  }
0x26: {  	[tilespmem:s18], [sflag:$0x3] =	stream.linear.gather [hbm4b:s11+s4], $0x1400, $0x200038;
	[tilespmem:$0x1E480] =	vst v63  }
0x27: {  	_ =	swait.ge [sflag:s16], $0x1400  }
0x28: {  	[sflag:s16] =	ssyncset.done $0x0  }
0x29: {  	[sflag:s16] =	ssyncadd.s32 $0xFFFFEC00  }
0x2a: {  	[tilespmem:s20], [sflag:$0x1] =	stream.indirect.gather [hbm4b:s1+s19], $0x80, s4, s19, $0x2000b8;
	[tilespmem:$0x1E480] =	vst v63  }
0x2b: {  	_ = 	snop  }
0x2c: {  	[tilespmem:s21], [sflag:$0x2] =	stream.indirect.gather [hbm4b:s1+s19], $0x80, s19, s19, $0x2000b8;
	[tilespmem:$0x1E480] =	vst v63  }
0x2d: {  	_ =	swait.ge [sflag:s22], $0x4000  }
0x2e: {  	[sflag:s22] =	ssyncset.done $0x0  }
0x2f: {  	s28 =	simm.s32 $0x1400;
	[sflag:s22] =	ssyncadd.s32 $0xFFFFC000  }
0x30: {  	[spmem:s2] =	stream.indirect.scatter.add.f32 [tilespmem:s20], [sflag:$0x3], $0x80, s28, s19, $0x2000b8;
	[tilespmem:$0x1E480] =	vst v63  }
0x31: {  	_ =	swait.ge [sflag:s16], $0x4000  }
0x32: {  	[sflag:s16] =	ssyncset.done $0x0  }
0x33: {  	s28 =	simm.s32 $0x100;
	[sflag:s16] =	ssyncadd.s32 $0xFFFFC000  }
0x34: {  	[tilespmem:s20], [sflag:$0x1] =	stream.indirect.gather [hbm4b:s1+s19], $0x80, s28, s19, $0x2000b8;
	[tilespmem:$0x1E480] =	vst v63  }
0x35: {  	_ =	swait.ge [sflag:s23], $0x4000  }
0x36: {  	[sflag:s23] =	ssyncset.done $0x0  }
0x37: {  	s28 =	simm.s32 $0x1480;
	[sflag:s23] =	ssyncadd.s32 $0xFFFFC000  }
0x38: {  	[spmem:s2] =	stream.indirect.scatter.add.f32 [tilespmem:s21], [sflag:$0x3], $0x80, s28, s19, $0x2000b8;
	[tilespmem:$0x1E480] =	vst v63  }
0x39: {  	_ =	swait.ge [sflag:s16], $0x4000  }
0x3a: {  	[sflag:s16] =	ssyncset.done $0x0  }
0x3b: {  	s29 =	simm.s32 $0x180;
	s28 =	simm.s32 $0x400;
	[sflag:s16] =	ssyncadd.s32 $0xFFFFC000  }
.LBB2_2:
0x3c: {  	[tilespmem:s21], [sflag:$0x2] =	stream.indirect.gather [hbm4b:s1+s19], $0x80, s29, s19, $0x2000b8;
	[tilespmem:$0x1E480] =	vst v63  }
0x3d: {  	s29 =	smov.u32 s28  }
0x3e: {  	p1 =	sne.s32 s28, $0x4800;
	s28 =	sadd.s32 $0x400, s28;
	_ =	swait.ge [sflag:s22], $0x4000  }
0x3f: {  	s29 =	sshra.s32 s29, $0x2;
	[sflag:s22] =	ssyncset.done $0x0  }
0x40: {  	s30 =	sadd.s32 $0x1400, s29;
	[sflag:s22] =	ssyncadd.s32 $0xFFFFC000  }
0x41: {  	[spmem:s2] =	stream.indirect.scatter.add.f32 [tilespmem:s20], [sflag:$0x3], $0x80, s30, s19, $0x2000b8;
	[tilespmem:$0x1E480] =	vst v63  }
0x42: {  	_ =	swait.ge [sflag:s16], $0x4000  }
0x43: {  	[sflag:s16] =	ssyncset.done $0x0  }
0x44: {  	s30 =	sadd.s32 $0x100, s29;
	[sflag:s16] =	ssyncadd.s32 $0xFFFFC000  }
0x45: {  	[tilespmem:s20], [sflag:$0x1] =	stream.indirect.gather [hbm4b:s1+s19], $0x80, s30, s19, $0x2000b8;
	[tilespmem:$0x1E480] =	vst v63  }
0x46: {  	_ =	swait.ge [sflag:s23], $0x4000  }
0x47: {  	[sflag:s23] =	ssyncset.done $0x0  }
.Ltmp0:
0x48: {  	s30 =	sadd.s32 $0x1480, s29;
	[sflag:s23] =	ssyncadd.s32 $0xFFFFC000;
	(pc) =	sbr.rel @p1 .LBB2_2-.Ltmp0, $4  }
0x49: {  	[spmem:s2] =	stream.indirect.scatter.add.f32 [tilespmem:s21], [sflag:$0x3], $0x80, s30, s19, $0x2000b8;
	[tilespmem:$0x1E480] =	vst v63  }
0x4a: {  	_ =	swait.ge [sflag:s16], $0x4000  }
0x4b: {  	[sflag:s16] =	ssyncset.done $0x0  }
0x4c: {  	s29 =	sadd.s32 $0x180, s29;
	[sflag:s16] =	ssyncadd.s32 $0xFFFFC000  }
0x4d: {  	[tilespmem:s21], [sflag:$0x2] =	stream.indirect.gather [hbm4b:s1+s19], $0x80, s29, s19, $0x2000b8;
	[tilespmem:$0x1E480] =	vst v63  }
0x4e: {  	_ =	swait.ge [sflag:s22], $0x4000  }
0x4f: {  	[sflag:s22] =	ssyncset.done $0x0  }
0x50: {  	[sflag:s22] =	ssyncadd.s32 $0xFFFFC000  }
0x51: {  	[spmem:s2] =	stream.indirect.scatter.add.f32 [tilespmem:s20], [sflag:$0x3], $0x80, s24, s19, $0x2000b8;
	[tilespmem:$0x1E480] =	vst v63  }
0x52: {  	_ =	swait.ge [sflag:s16], $0x4000  }
0x53: {  	[sflag:s16] =	ssyncset.done $0x0  }
0x54: {  	[sflag:s16] =	ssyncadd.s32 $0xFFFFC000  }
0x55: {  	_ =	swait.ge [sflag:s23], $0x4000  }
0x56: {  	[sflag:s23] =	ssyncset.done $0x0  }
0x57: {  	[sflag:s23] =	ssyncadd.s32 $0xFFFFC000  }
0x58: {  	[spmem:s2] =	stream.indirect.scatter.add.f32 [tilespmem:s21], [sflag:$0x3], $0x80, s25, s19, $0x2000b8;
	[tilespmem:$0x1E480] =	vst v63  }
0x59: {  	_ =	swait.ge [sflag:s16], $0x4000  }
0x5a: {  	[sflag:s16] =	ssyncset.done $0x0  }
0x5b: {  	s28 =	simm.s32 $0x0;
	[sflag:s16] =	ssyncadd.s32 $0xFFFFC000  }
0x5c: {  	[tilespmem:s28], [sflag:$0x3] =	stream.linear.gather [hbm4b:s12+s28], $0x1400, $0x200038;
	[tilespmem:$0x1E480] =	vst v63  }
0x5d: {  	_ =	swait.ge [sflag:s16], $0x1400  }
0x5e: {  	[sflag:s16] =	ssyncset.done $0x0  }
0x5f: {  	[sflag:s16] =	ssyncadd.s32 $0xFFFFEC00  }
0x60: {  	[tilespmem:s18], [sflag:$0x3] =	stream.linear.gather [hbm4b:s13+s28], $0x1400, $0x200038;
	[tilespmem:$0x1E480] =	vst v63  }
0x61: {  	_ =	swait.ge [sflag:s16], $0x1400  }
0x62: {  	[sflag:s16] =	ssyncset.done $0x0  }
0x63: {  	[sflag:s16] =	ssyncadd.s32 $0xFFFFEC00  }
0x64: {  	[tilespmem:s20], [sflag:$0x1] =	stream.indirect.gather [hbm4b:s1+s19], $0x80, s28, s19, $0x2000b8;
	[tilespmem:$0x1E480] =	vst v63  }
0x65: {  	_ = 	snop  }
0x66: {  	[tilespmem:s21], [sflag:$0x2] =	stream.indirect.gather [hbm4b:s1+s19], $0x80, s19, s19, $0x2000b8;
	[tilespmem:$0x1E480] =	vst v63  }
0x67: {  	_ =	swait.ge [sflag:s22], $0x4000  }
0x68: {  	[sflag:s22] =	ssyncset.done $0x0  }
0x69: {  	s28 =	simm.s32 $0x1400;
	[sflag:s22] =	ssyncadd.s32 $0xFFFFC000  }
0x6a: {  	[spmem:s2] =	stream.indirect.scatter.add.f32 [tilespmem:s20], [sflag:$0x3], $0x80, s28, s19, $0x2000b8;
	[tilespmem:$0x1E480] =	vst v63  }
0x6b: {  	_ =	swait.ge [sflag:s16], $0x4000  }
0x6c: {  	[sflag:s16] =	ssyncset.done $0x0  }
0x6d: {  	s28 =	simm.s32 $0x100;
	[sflag:s16] =	ssyncadd.s32 $0xFFFFC000  }
0x6e: {  	[tilespmem:s20], [sflag:$0x1] =	stream.indirect.gather [hbm4b:s1+s19], $0x80, s28, s19, $0x2000b8;
	[tilespmem:$0x1E480] =	vst v63  }
0x6f: {  	_ =	swait.ge [sflag:s23], $0x4000  }
0x70: {  	[sflag:s23] =	ssyncset.done $0x0  }
0x71: {  	s28 =	simm.s32 $0x1480;
	[sflag:s23] =	ssyncadd.s32 $0xFFFFC000  }
0x72: {  	[spmem:s2] =	stream.indirect.scatter.add.f32 [tilespmem:s21], [sflag:$0x3], $0x80, s28, s19, $0x2000b8;
	[tilespmem:$0x1E480] =	vst v63  }
0x73: {  	_ =	swait.ge [sflag:s16], $0x4000  }
0x74: {  	[sflag:s16] =	ssyncset.done $0x0  }
0x75: {  	s29 =	simm.s32 $0x180;
	s28 =	simm.s32 $0x400;
	[sflag:s16] =	ssyncadd.s32 $0xFFFFC000  }
.LBB2_4:
0x76: {  	[tilespmem:s21], [sflag:$0x2] =	stream.indirect.gather [hbm4b:s1+s19], $0x80, s29, s19, $0x2000b8;
	[tilespmem:$0x1E480] =	vst v63  }
0x77: {  	s29 =	smov.u32 s28  }
0x78: {  	p1 =	sne.s32 s28, $0x4800;
	s28 =	sadd.s32 $0x400, s28;
	_ =	swait.ge [sflag:s22], $0x4000  }
0x79: {  	s29 =	sshra.s32 s29, $0x2;
	[sflag:s22] =	ssyncset.done $0x0  }
0x7a: {  	s30 =	sadd.s32 $0x1400, s29;
	[sflag:s22] =	ssyncadd.s32 $0xFFFFC000  }
0x7b: {  	[spmem:s2] =	stream.indirect.scatter.add.f32 [tilespmem:s20], [sflag:$0x3], $0x80, s30, s19, $0x2000b8;
	[tilespmem:$0x1E480] =	vst v63  }
0x7c: {  	_ =	swait.ge [sflag:s16], $0x4000  }
0x7d: {  	[sflag:s16] =	ssyncset.done $0x0  }
0x7e: {  	s30 =	sadd.s32 $0x100, s29;
	[sflag:s16] =	ssyncadd.s32 $0xFFFFC000  }
0x7f: {  	[tilespmem:s20], [sflag:$0x1] =	stream.indirect.gather [hbm4b:s1+s19], $0x80, s30, s19, $0x2000b8;
	[tilespmem:$0x1E480] =	vst v63  }
0x80: {  	_ =	swait.ge [sflag:s23], $0x4000  }
0x81: {  	[sflag:s23] =	ssyncset.done $0x0  }
.Ltmp1:
0x82: {  	s30 =	sadd.s32 $0x1480, s29;
	[sflag:s23] =	ssyncadd.s32 $0xFFFFC000;
	(pc) =	sbr.rel @p1 .LBB2_4-.Ltmp1, $4  }
0x83: {  	[spmem:s2] =	stream.indirect.scatter.add.f32 [tilespmem:s21], [sflag:$0x3], $0x80, s30, s19, $0x2000b8;
	[tilespmem:$0x1E480] =	vst v63  }
0x84: {  	_ =	swait.ge [sflag:s16], $0x4000  }
0x85: {  	[sflag:s16] =	ssyncset.done $0x0  }
0x86: {  	s29 =	sadd.s32 $0x180, s29;
	[sflag:s16] =	ssyncadd.s32 $0xFFFFC000  }
0x87: {  	[tilespmem:s21], [sflag:$0x2] =	stream.indirect.gather [hbm4b:s1+s19], $0x80, s29, s19, $0x2000b8;
	[tilespmem:$0x1E480] =	vst v63  }
0x88: {  	_ =	swait.ge [sflag:s22], $0x4000  }
0x89: {  	[sflag:s22] =	ssyncset.done $0x0  }
0x8a: {  	[sflag:s22] =	ssyncadd.s32 $0xFFFFC000  }
0x8b: {  	[spmem:s2] =	stream.indirect.scatter.add.f32 [tilespmem:s20], [sflag:$0x3], $0x80, s24, s19, $0x2000b8;
	[tilespmem:$0x1E480] =	vst v63  }
0x8c: {  	_ =	swait.ge [sflag:s16], $0x4000  }
0x8d: {  	[sflag:s16] =	ssyncset.done $0x0  }
0x8e: {  	[sflag:s16] =	ssyncadd.s32 $0xFFFFC000  }
0x8f: {  	_ =	swait.ge [sflag:s23], $0x4000  }
0x90: {  	[sflag:s23] =	ssyncset.done $0x0  }
0x91: {  	[sflag:s23] =	ssyncadd.s32 $0xFFFFC000  }
0x92: {  	[spmem:s2] =	stream.indirect.scatter.add.f32 [tilespmem:s21], [sflag:$0x3], $0x80, s25, s19, $0x2000b8;
	[tilespmem:$0x1E480] =	vst v63  }
0x93: {  	_ =	swait.ge [sflag:s16], $0x4000  }
0x94: {  	[sflag:s16] =	ssyncset.done $0x0  }
0x95: {  	[sflag:s16] =	ssyncadd.s32 $0xFFFFC000  }
0x96: {  	_ =	strace $0x9000004F  }
0x97: {  	[bflag:$0x0] =	sbarrier.arrive $0xFFFF  }
0x98: {  	_ =	strace $0x80000050  }
0x99: {  	[hbm:s7], [sflag:s14] =	dma.local [spmem:s15], $0x2700  }
0x9a: {  	_ =	swait.ge [sflag:s16], $0x2700  }
0x9b: {  	s26 =	sadd.s32 $0x1, s26;
	[sflag:s16] =	ssyncset.done $0x0  }
0x9c: {  	p1 =	sne.s32 s26, s9;
	[sflag:s16] =	ssyncadd.s32 $0xFFFFD900  }
0x9d: {  	[hbm:s8], [sflag:s14] =	dma.local @!p0 [spmem:s17], $0x100  }
.Ltmp2:
0x9e: {  	s28 =	simm.s32 @!p0 $0x3;
	(pc) =	sbr.rel @p1 .LBB2_1-.Ltmp2, $4  }
0x9f: {  	_ =	swait.ge @!p0 [sflag:s28], $0x100  }
0xa0: {  	[sflag:s28] =	ssyncset.done @!p0 $0x0  }
0xa1: {  	[sflag:s28] =	ssyncadd.s32 @!p0 $0xFFFFFF00  }
0xa2: {  	_ =	strace $0x90000050  }
0xa3: {  	_ =	sfence.sel $0x180000  }
0xa4: {  	[bflag:$0x0] =	sbarrier.arrive $0xFFFF  }
0xa5: {  	p0 =	sne.s32 s3, $0x0;
	_ =	strace $0x9000004D  }
0xa6: {  	s0 =	sadd.s32 @!p0 $0x100000, s0;
	[bflag:$0x2] =	sbarrier.arrive $0xFFFF  }
0xa7: {  	[sflag:s0] =	ssyncadd.tile.s32 @!p0 $0x1;
	_ =	shalt  }
.Lfunc_end2:
_tile_overlayer_lowered:
.L_overlay_start_2:
0xa8: {  	(tag) =	ssettag $0x2  }
0xa9: {  	s0 =	rddreg [dreg:$0x0];
	s2 =	stileid.u32  }
0xaa: {  	s1 =	rddreg [dreg:$0x1];
	p0 =	sne.s32 s2, $0x0  }
0xab: {  	s3 =	rddreg [dreg:$0x2];
	[bflag:$0x3] =	sbarrier.arrive $0xFFFF;
	s2 =	simm.s32 @!p0 $0x1C03  }
0xac: {  	[timem:s3], [sflag:s2] =	dma.local @!p0 [hbm:s0], s1  }
0xad: {  	s0 =	simm.s32 @!p0 $0x3  }
0xae: {  	_ =	swait.ge @!p0 [sflag:s0], s1  }
0xaf: {  	s1 =	ssub.s32 @!p0 $0x0, s1;
	[sflag:s0] =	ssyncset.done @!p0 $0x0  }
0xb0: {  	[sflag:s0] =	ssyncadd.s32 @!p0 s1  }
0xb1: {  	[bflag:$0x3] =	sbarrier.arrive $0xFFFF  }
0xb2: {  	_ =	shalt  }

</sc_bundles>
